<compile_context>
chip_gen: v7x
topology: tpu7x:2x2x1
jax: 0.10.2.dev20260603
libtpu: 0.0.44.dev20260713+nightly
codegen_flags: <defaults>
</compile_context>

<pallas_src>
import functools

import jax
import jax.numpy as jnp
from jax import lax
from jax.experimental import pallas as pl
from jax.experimental.pallas import tpu as pltpu
from jax.experimental.pallas import tpu_sc as plsc

_LF = 0.15875
_VGOAL = 0.9
_N = 100000
_NS = 16
_L = 16
_RPW = _N // _NS
_TWIN = 6400
_H = _TWIN // 2
_BASE_MAX = 93568
_UNROLL = 10
_TAIL0 = 99968
_TAILN = _N - _TAIL0

_BIG = 3.4e38


def _atan(u):
  t = jnp.abs(u)
  inv = t > 1.0
  z = jnp.where(inv, 1.0 / jnp.maximum(t, 1e-30), t)
  big = z > 0.4142135623730951
  z2 = jnp.where(big, (z - 1.0) / (z + 1.0), z)
  w = z2 * z2
  p = ((8.05374449538e-2 * w - 1.38776856032e-1) * w
       + 1.99777106478e-1) * w - 3.33329491539e-1
  r = z2 + z2 * w * p
  r = jnp.where(big, jnp.float32(0.7853981633974483) + r, r)
  r = jnp.where(inv, jnp.float32(1.5707963267948966) - r, r)
  return jnp.where(u < 0.0, -r, r)


def _sincos(t):
  tt = t * jnp.float32(0.6366197723675814)
  n = (tt + jnp.float32(0.5) * jnp.sign(tt)).astype(jnp.int32)
  nf = n.astype(jnp.float32)
  r = (t - nf * jnp.float32(1.5707962513e+00)) - nf * jnp.float32(7.5497894159e-08)
  q = n & 3
  r2 = r * r
  sp = r + r * r2 * (jnp.float32(-1.6666654611e-01)
                     + r2 * (jnp.float32(8.3321608736e-03)
                             + r2 * jnp.float32(-1.9515295891e-04)))
  cp = 1.0 + r2 * (jnp.float32(-0.5)
                   + r2 * (jnp.float32(4.166664568298827e-02)
                           + r2 * (jnp.float32(-1.388731625493765e-03)
                                   + r2 * jnp.float32(2.443315711809948e-05))))
  s = jnp.where(q == 0, sp, jnp.where(q == 1, cp,
                                      jnp.where(q == 2, -sp, -cp)))
  c = jnp.where(q == 0, cp, jnp.where(q == 1, -sp,
                                      jnp.where(q == 2, -cp, sp)))
  return s, c


def _sc_body(wt_hbm, pk_hbm, tail_hbm, out_hbm,
             buf_v, pv_v, tail_v, rec_v, outs_v, shared_v, semb, semb2):
  sid = lax.axis_index("s")
  row0 = sid * _RPW
  base = pl.multiple_of(jnp.minimum((row0 // 128) * 128, _BASE_MAX), 128)
  cb = pltpu.async_copy(wt_hbm.at[:, pl.ds(base, _H)],
                        buf_v.at[:, pl.ds(0, _H)], semb)
  cb2 = pltpu.async_copy(wt_hbm.at[:, pl.ds(base + _H, _H)],
                         buf_v.at[:, pl.ds(_H, _H)], semb2)
  pltpu.sync_copy(pk_hbm, pv_v.at[pl.ds(0, 8)])
  pltpu.sync_copy(tail_hbm, tail_v)

  lanes = lax.broadcasted_iota(jnp.int32, (_L,), 0)
  zeros_i = jnp.zeros((_L,), jnp.int32)
  pv16 = pv_v[...]
  pcx = jnp.sum(jnp.where(lanes == 0, pv16, 0.0))
  pcy = jnp.sum(jnp.where(lanes == 1, pv16, 0.0))

  def step(i, bd, br):
    xv = buf_v[1, pl.ds(i, _L)]
    yv = buf_v[2, pl.ds(i, _L)]
    dx = xv - pcx
    dy = yv - pcy
    d2 = dx * dx + dy * dy
    upd = d2 < bd
    return jnp.where(upd, d2, bd), jnp.where(upd, i + lanes, br)

  bd0 = jnp.full((_L,), _BIG, jnp.float32)
  cb.wait()

  @plsc.parallel_loop(0, _H, _L, unroll=_UNROLL, carry=(bd0, zeros_i))
  def _loop(i, carry):
    bd, br = carry
    return step(i, bd, br)

  bd, br = _loop
  cb2.wait()

  @plsc.parallel_loop(_H, _TWIN, _L, unroll=_UNROLL, carry=(bd, br))
  def _loop2(i, carry):
    bd, br = carry
    return step(i, bd, br)

  bd, br = _loop2

  m = jnp.min(bd)
  c_win = jnp.min(jnp.where(bd == m, br, jnp.int32(0x7FFFFFFF)))
  g_row = (base + c_win).astype(jnp.float32)
  co = pl.multiple_of((c_win // _L) * _L, _L)
  jsel = lanes == (c_win - co)
  xw = jnp.sum(jnp.where(jsel, buf_v[1, pl.ds(co, _L)], 0.0))
  yw = jnp.sum(jnp.where(jsel, buf_v[2, pl.ds(co, _L)], 0.0))
  hw = jnp.sum(jnp.where(jsel, buf_v[3, pl.ds(co, _L)], 0.0))
  sw = jnp.sum(jnp.where(jsel, buf_v[5, pl.ds(co, _L)], 0.0))
  outvec = jnp.where(lanes == 0, m,
                     jnp.where(lanes == 1, g_row,
                               jnp.where(lanes == 3, xw,
                                         jnp.where(lanes == 4, yw,
                                                   jnp.where(lanes == 5, hw,
                                                             sw)))))
  outs_v[...] = outvec
  pltpu.sync_copy(outs_v, shared_v.at[pl.ds(sid * _L, _L)])
  plsc.subcore_barrier()

  @pl.when(sid == 0)
  def _final():
    pltpu.sync_copy(shared_v, rec_v)
    d2v = plsc.load_gather(rec_v, [lanes * _L])
    grv = plsc.load_gather(rec_v, [lanes * _L + 1])
    mm = jnp.min(d2v)
    keyv = grv * jnp.float32(_NS) + lanes.astype(jnp.float32)
    kstar = jnp.min(jnp.where(d2v <= mm, keyv, _BIG))
    wsel = keyv == kstar
    xs = jnp.sum(jnp.where(wsel, plsc.load_gather(rec_v, [lanes * _L + 3]), 0.0))
    ys = jnp.sum(jnp.where(wsel, plsc.load_gather(rec_v, [lanes * _L + 4]), 0.0))
    hs = jnp.sum(jnp.where(wsel, plsc.load_gather(rec_v, [lanes * _L + 5]), 0.0))
    ss = jnp.sum(jnp.where(wsel, plsc.load_gather(rec_v, [lanes * _L + 7]), 0.0))
    tbd = jnp.full((_L,), _BIG, jnp.float32)
    tbr = zeros_i
    for k in (0, _L):
      xv = tail_v[pl.ds(k, _L)]
      yv = tail_v[pl.ds(32 + k, _L)]
      dx = xv - pcx
      dy = yv - pcy
      d2 = dx * dx + dy * dy
      upd = d2 < tbd
      tbd = jnp.where(upd, d2, tbd)
      tbr = jnp.where(upd, k + lanes, tbr)
    d2t = jnp.min(tbd)
    ct = jnp.min(jnp.where(tbd == d2t, tbr, jnp.int32(0x7FFFFFFF)))
    cto = pl.multiple_of((ct // _L) * _L, _L)
    tsel = lanes == (ct - cto)
    xt = jnp.sum(jnp.where(tsel, tail_v[pl.ds(cto, _L)], 0.0))
    yt = jnp.sum(jnp.where(tsel, tail_v[pl.ds(32 + cto, _L)], 0.0))
    ht = jnp.sum(jnp.where(tsel, tail_v[pl.ds(64 + cto, _L)], 0.0))
    st = jnp.sum(jnp.where(tsel, tail_v[pl.ds(96 + cto, _L)], 0.0))
    zf = jnp.zeros((_L,), jnp.float32)
    use_t = (d2t + zf) < (mm + zf)
    wx = jnp.where(use_t, xt + zf, xs + zf)
    wy = jnp.where(use_t, yt + zf, ys + zf)
    wh = jnp.where(use_t, ht + zf, hs + zf)
    ws = jnp.where(use_t, st + zf, ss + zf)

    k_e = jnp.sum(jnp.where(lanes == 2, pv16, 0.0)) + zf
    k_h = jnp.sum(jnp.where(lanes == 3, pv16, 0.0)) + zf
    theta = jnp.sum(jnp.where(lanes == 4, pv16, 0.0)) + zf
    pi = jnp.float32(jnp.pi)
    thetap = jnp.remainder(theta + pi, 2.0 * pi)
    s, c = _sincos(thetap + pi / 2.0)
    fav0 = -c
    fav1 = -s
    ce = ((pcx + zf) - wx) * fav0 + ((pcy + zf) - wy) * fav1
    he = jnp.remainder(wh - thetap + pi, 2.0 * pi) - pi
    v = ws * jnp.float32(_VGOAL)
    steer = k_h * he + _atan(k_e * -ce / (v + 1e-05))
    res = jnp.where(lanes == 0, steer,
                    jnp.where(lanes == 1, v,
                              jnp.where(lanes == 2, ce,
                                        jnp.where(lanes == 3, he, zf))))
    outs_v[...] = res
    pltpu.sync_copy(outs_v, out_hbm.at[0])


@functools.cache
def _get_sc():
  return pl.kernel(
      _sc_body,
      out_type=jax.ShapeDtypeStruct((1, _L), jnp.float32),
      mesh=plsc.VectorSubcoreMesh(core_axis_name="c", subcore_axis_name="s",
                                  num_cores=1, num_subcores=_NS),
      compiler_params=pltpu.CompilerParams(needs_layout_passes=False,
                                           use_tc_tiling_on_sc=True),
      scratch_types=[
          pltpu.VMEM((6, _TWIN), jnp.float32),
          pltpu.VMEM((_L,), jnp.float32),
          pltpu.VMEM((128,), jnp.float32),
          pltpu.VMEM((_NS * _L,), jnp.float32),
          pltpu.VMEM((_L,), jnp.float32),
          pltpu.VMEM_SHARED((_NS * _L,), jnp.float32),
          pltpu.SemaphoreType.DMA,
          pltpu.SemaphoreType.DMA,
      ],
  )


def kernel(pose, waypoints, k_e, k_h):
  s2 = jnp.sin(pose[2])
  c2 = jnp.cos(pose[2])
  pk = jnp.stack([pose[0] + _LF * s2, pose[1] + _LF * c2,
                  k_e.astype(jnp.float32), k_h.astype(jnp.float32),
                  pose[2], jnp.float32(0.0), jnp.float32(0.0),
                  jnp.float32(0.0)])
  tail = jnp.concatenate([waypoints[_TAIL0:, 1], waypoints[_TAIL0:, 2],
                          waypoints[_TAIL0:, 3], waypoints[_TAIL0:, 5]])
  wt = waypoints.T
  out = _get_sc()(wt, pk, tail)
  return (out[0, 0], out[0, 1], out[0, 2], out[0, 3])

# --- scband reference (transcript-rebuilt; emitter-appended) ---
"""Pipeline reference for scband-diff-stanley-controller-90263032693167 (READ-ONLY COPY).

The authoritative reference and input builder live on the scoring server;
editing this copy changes nothing except your own understanding.
"""

import jax, jax.numpy as jnp
import numpy as np

N_WAYPOINTS = 100000
LF = 0.15875
VELOCITY_GOAL = 0.9


def setup_inputs(seed: int = 0) -> dict:
    key = jax.random.key(seed)
    k1, k2 = jax.random.split(key, 2)
    pose = jax.random.normal(k1, (4,), dtype=jnp.float32)
    # waypoints: columns [id, x, y, heading, curvature, speed] -- stand-in for Map.csv
    waypoints = jax.random.uniform(k2, (N_WAYPOINTS, 6), dtype=jnp.float32, minval=0.0, maxval=10.0)
    # replicate __init__ preprocessing of the heading column
    wp_heading = jnp.remainder(waypoints[:, 3] - jnp.pi / 2.0, 2.0 * jnp.pi)
    waypoints = waypoints.at[:, 3].set(wp_heading)
    k_e = jnp.asarray(1.8, dtype=jnp.float32)
    k_h = jnp.asarray(1.3, dtype=jnp.float32)
    return {"pose": pose, "waypoints": waypoints, "k_e": k_e, "k_h": k_h}


def reference(pose, waypoints, k_e, k_h):
    pose_cg_x = pose[0] + LF * jnp.sin(pose[2])
    pose_cg_y = pose[1] + LF * jnp.cos(pose[2])
    pose_cg_theta = jnp.remainder(pose[2] + jnp.pi, 2.0 * jnp.pi)
    # nearest-waypoint search (1-NN over N_WAYPOINTS keys in 2D)
    diff = waypoints[:, 1:3] - jnp.stack([pose_cg_x, pose_cg_y], axis=-1)
    distance_to_waypoints = jnp.linalg.norm(diff, axis=1)
    min_index = jnp.argmin(distance_to_waypoints)
    distance_to_waypoint = jnp.stack([pose_cg_x - waypoints[min_index, 1],
                                      pose_cg_y - waypoints[min_index, 2]])
    front_axle_vector = jnp.stack([-jnp.cos(pose_cg_theta + jnp.pi / 2.0),
                                   -jnp.sin(pose_cg_theta + jnp.pi / 2.0)])
    crosstrack_error = jnp.dot(distance_to_waypoint, front_axle_vector)
    raw_heading_error = waypoints[min_index, 3] - pose_cg_theta
    heading_error = jnp.remainder(raw_heading_error + jnp.pi, 2.0 * jnp.pi) - jnp.pi
    velocity = waypoints[min_index, 5] * VELOCITY_GOAL
    steer = k_h * heading_error + jnp.arctan(k_e * -crosstrack_error / (velocity + 1e-05))
    return (steer, velocity, crosstrack_error, heading_error)

if __name__ == "__main__":
    import jax
    _d = setup_inputs()
    print(jax.jit(kernel)(*tuple(_d.values())))

</pallas_src>

<mosaic_0001>
#map = affine_map<(d0, d1) -> (0, 0)>
#map1 = affine_map<(d0, d1) -> (0)>
module attributes {stable_mosaic.version = 14 : i64} {
  func.func @_sc_body(%arg0: i32, %arg1: i32, %arg2: memref<6x100000xf32, #tpu.memory_space<hbm>>, %arg3: memref<8xf32, #tpu.memory_space<hbm>>, %arg4: memref<128xf32, #tpu.memory_space<hbm>>, %arg5: memref<1x16xf32, #tpu.memory_space<hbm>>, %arg6: memref<6x6400xf32, #tpu.memory_space<vmem>>, %arg7: memref<16xf32, #tpu.memory_space<vmem>>, %arg8: memref<128xf32, #tpu.memory_space<vmem>>, %arg9: memref<256xf32, #tpu.memory_space<vmem>>, %arg10: memref<16xf32, #tpu.memory_space<vmem>>, %arg11: memref<256xf32, #tpu.memory_space<vmem_shared>>, %arg12: memref<!tpu.dma_semaphore, #tpu.memory_space<semaphore_mem>>, %arg13: memref<!tpu.dma_semaphore, #tpu.memory_space<semaphore_mem>>) attributes {dimension_semantics = [#tpu.dimension_semantics<core_parallel>, #tpu.dimension_semantics<subcore_parallel>], iteration_bounds = array<i64: 1, 16>, scalar_prefetch = 0 : i64, scratch_operands = 8 : i64, tpu.core_type = #tpu.core_type<sc_vector_subcore>, window_params = [{transform_indices = #map}, {transform_indices = #map1}, {transform_indices = #map1}, {transform_indices = #map}]} {
    %mul3A = arith.constant 6250 : i32
    %mul3A_0 = arith.muli %arg1, %mul3A : i32
    %jit3A = arith.constant 128 : i32
    %div3A = arith.divsi %mul3A_0, %jit3A : i32
    %sign3A = arith.constant 0 : i32
    %sign3A_1 = arith.cmpi sgt, %mul3A_0, %sign3A : i32
    %sign3A_2 = arith.extui %sign3A_1 : i1 to i32
    %sign3A_3 = arith.constant 0 : i32
    %sign3A_4 = arith.cmpi slt, %mul3A_0, %sign3A_3 : i32
    %sign3A_5 = arith.extui %sign3A_4 : i1 to i32
    %sign3A_6 = arith.subi %sign3A_2, %sign3A_5 : i32
    %sign3A_7 = arith.constant 0 : i32
    %sign3A_8 = arith.cmpi sgt, %jit3A, %sign3A_7 : i32
    %sign3A_9 = arith.extui %sign3A_8 : i1 to i32
    %sign3A_10 = arith.constant 0 : i32
    %sign3A_11 = arith.cmpi slt, %jit3A, %sign3A_10 : i32
    %sign3A_12 = arith.extui %sign3A_11 : i1 to i32
    %sign3A_13 = arith.subi %sign3A_9, %sign3A_12 : i32
    %ne3A = arith.cmpi ne, %sign3A_6, %sign3A_13 : i32
    %rem3A = arith.remsi %mul3A_0, %jit3A : i32
    %ne3A_14 = arith.constant 0 : i32
    %ne3A_15 = arith.cmpi ne, %rem3A, %ne3A_14 : i32
    %and3A = arith.andi %ne3A, %ne3A_15 : i1
    %sub3A = arith.constant 1 : i32
    %sub3A_16 = arith.subi %div3A, %sub3A : i32
    %select_n3A = arith.select %and3A, %sub3A_16, %div3A : i32
    %mul3A_17 = arith.constant 128 : i32
    %mul3A_18 = arith.muli %select_n3A, %mul3A_17 : i32
    %min3A = arith.constant 93568 : i32
    %min3A_19 = arith.minsi %mul3A_18, %min3A : i32
    %multiple_of3A = tpu.assume_multiple %min3A_19, 128 : i32
    %dma_start3A = arith.constant 0 : i32
    %dma_start3A_20 = arith.constant 0 : i32
    %dma_start3A_21 = tpu.memref_slice %arg6[%dma_start3A, %dma_start3A_20] : memref<6x6400xf32, #tpu.memory_space<vmem>> -> memref<6x3200xf32, #tpu.memory_space<vmem>>
    %dma_start3A_22 = arith.constant 0 : i32
    %dma_start3A_23 = tpu.memref_slice %arg2[%dma_start3A_22, %multiple_of3A] : memref<6x100000xf32, #tpu.memory_space<hbm>> -> memref<6x3200xf32, #tpu.memory_space<hbm>>
    %dma_start3A_24 = arith.constant 0 : i32
    %dma_start3A_25 = arith.constant 0 : i32
    %dma_start3A_26 = tpu.memref_slice %arg6[%dma_start3A_24, %dma_start3A_25] : memref<6x6400xf32, #tpu.memory_space<vmem>> -> memref<6x3200xf32, #tpu.memory_space<vmem>>
    %dma_start3A_27 = arith.constant 0 : i32
    %dma_start3A_28 = tpu.memref_slice %arg2[%dma_start3A_27, %multiple_of3A] : memref<6x100000xf32, #tpu.memory_space<hbm>> -> memref<6x3200xf32, #tpu.memory_space<hbm>>
    tpu.enqueue_dma source(%dma_start3A_28 : memref<6x3200xf32, #tpu.memory_space<hbm>>) target(%dma_start3A_26 : memref<6x3200xf32, #tpu.memory_space<vmem>>) target_semaphore(%arg12 : memref<!tpu.dma_semaphore, #tpu.memory_space<semaphore_mem>>)
    %add3A = arith.constant 3200 : i32
    %add3A_29 = arith.addi %multiple_of3A, %add3A : i32
    %dma_start3A_30 = arith.constant 0 : i32
    %dma_start3A_31 = arith.constant 3200 : i32
    %dma_start3A_32 = tpu.memref_slice %arg6[%dma_start3A_30, %dma_start3A_31] : memref<6x6400xf32, #tpu.memory_space<vmem>> -> memref<6x3200xf32, #tpu.memory_space<vmem>>
    %dma_start3A_33 = arith.constant 0 : i32
    %dma_start3A_34 = tpu.memref_slice %arg2[%dma_start3A_33, %add3A_29] : memref<6x100000xf32, #tpu.memory_space<hbm>> -> memref<6x3200xf32, #tpu.memory_space<hbm>>
    %dma_start3A_35 = arith.constant 0 : i32
    %dma_start3A_36 = arith.constant 3200 : i32
    %dma_start3A_37 = tpu.memref_slice %arg6[%dma_start3A_35, %dma_start3A_36] : memref<6x6400xf32, #tpu.memory_space<vmem>> -> memref<6x3200xf32, #tpu.memory_space<vmem>>
    %dma_start3A_38 = arith.constant 0 : i32
    %dma_start3A_39 = tpu.memref_slice %arg2[%dma_start3A_38, %add3A_29] : memref<6x100000xf32, #tpu.memory_space<hbm>> -> memref<6x3200xf32, #tpu.memory_space<hbm>>
    tpu.enqueue_dma source(%dma_start3A_39 : memref<6x3200xf32, #tpu.memory_space<hbm>>) target(%dma_start3A_37 : memref<6x3200xf32, #tpu.memory_space<vmem>>) target_semaphore(%arg13 : memref<!tpu.dma_semaphore, #tpu.memory_space<semaphore_mem>>)
    "tpu.region"() ({
      %run_scoped3A = tpu.sem_alloc : memref<!tpu.dma_semaphore, #tpu.memory_space<semaphore_mem>>
      %dma_start3A_212 = arith.constant 0 : i32
      %dma_start3A_213 = tpu.memref_slice %arg7[%dma_start3A_212] : memref<16xf32, #tpu.memory_space<vmem>> -> memref<8xf32, #tpu.memory_space<vmem>>
      %dma_start3A_214 = arith.constant 0 : i32
      %dma_start3A_215 = tpu.memref_slice %arg7[%dma_start3A_214] : memref<16xf32, #tpu.memory_space<vmem>> -> memref<8xf32, #tpu.memory_space<vmem>>
      tpu.enqueue_dma source(%arg3 : memref<8xf32, #tpu.memory_space<hbm>>) target(%dma_start3A_215 : memref<8xf32, #tpu.memory_space<vmem>>) target_semaphore(%run_scoped3A : memref<!tpu.dma_semaphore, #tpu.memory_space<semaphore_mem>>)
      %dma_wait3A_216 = arith.constant 0 : i32
      %dma_wait3A_217 = tpu.memref_slice %arg7[%dma_wait3A_216] : memref<16xf32, #tpu.memory_space<vmem>> -> memref<8xf32, #tpu.memory_space<vmem>>
      %dma_wait3A_218 = arith.constant 0 : i32
      %dma_wait3A_219 = tpu.memref_slice %arg7[%dma_wait3A_218] : memref<16xf32, #tpu.memory_space<vmem>> -> memref<8xf32, #tpu.memory_space<vmem>>
      tpu.wait_dma2 semaphore(%run_scoped3A : memref<!tpu.dma_semaphore, #tpu.memory_space<semaphore_mem>>) src(%arg3 : memref<8xf32, #tpu.memory_space<hbm>>) dst(%dma_wait3A_219 : memref<8xf32, #tpu.memory_space<vmem>>)
      tpu.yield
    }) : () -> ()
    "tpu.region"() ({
      %run_scoped3A = tpu.sem_alloc : memref<!tpu.dma_semaphore, #tpu.memory_space<semaphore_mem>>
      tpu.enqueue_dma source(%arg4 : memref<128xf32, #tpu.memory_space<hbm>>) target(%arg8 : memref<128xf32, #tpu.memory_space<vmem>>) target_semaphore(%run_scoped3A : memref<!tpu.dma_semaphore, #tpu.memory_space<semaphore_mem>>)
      tpu.wait_dma2 semaphore(%run_scoped3A : memref<!tpu.dma_semaphore, #tpu.memory_space<semaphore_mem>>) src(%arg4 : memref<128xf32, #tpu.memory_space<hbm>>) dst(%arg8 : memref<128xf32, #tpu.memory_space<vmem>>)
      tpu.yield
    }) : () -> ()
    %iota3A = tpu.iota {dimensions = array<i32: 0>} : vector<16xi32>
    %broadcast_in_dim3A = arith.constant 0 : i32
    %broadcast_in_dim3A_40 = vector.broadcast %broadcast_in_dim3A : i32 to vector<16xi32>
    %get3A = arith.constant 0 : index
    %get3A_41 = tpu.vector_load %arg7[%get3A] {strides = array<i32>} : memref<16xf32, #tpu.memory_space<vmem>>, vector<16xf32>,
    %eq3A = arith.constant 0 : i32
    %eq3A_42 = vector.broadcast %eq3A : i32 to vector<16xi32>
    %eq3A_43 = arith.cmpi eq, %iota3A, %eq3A_42 : vector<16xi32>
    %jit3A_44 = arith.constant 0.000000e+00 : f32
    %broadcast_in_dim3A_45 = vector.broadcast %jit3A_44 : f32 to vector<16xf32>
    %select_n3A_46 = arith.select %eq3A_43, %get3A_41, %broadcast_in_dim3A_45 : vector<16xi1>, vector<16xf32>
    %reduce_sum3A = arith.constant true
    %reduce_sum3A_47 = vector.broadcast %reduce_sum3A : i1 to vector<16xi1>
    %reduce_sum3A_48 = tpu.scan <sum>, %select_n3A_46 masked %reduce_sum3A_47 : vector<16xf32>, vector<16xi1> -> vector<16xf32>
    %reduce_sum3A_49 = vector.extract %reduce_sum3A_48[15] : f32 from vector<16xf32>
    %eq3A_50 = arith.constant 1 : i32
    %eq3A_51 = vector.broadcast %eq3A_50 : i32 to vector<16xi32>
    %eq3A_52 = arith.cmpi eq, %iota3A, %eq3A_51 : vector<16xi32>
    %jit3A_53 = arith.constant 0.000000e+00 : f32
    %broadcast_in_dim3A_54 = vector.broadcast %jit3A_53 : f32 to vector<16xf32>
    %select_n3A_55 = arith.select %eq3A_52, %get3A_41, %broadcast_in_dim3A_54 : vector<16xi1>, vector<16xf32>
    %reduce_sum3A_56 = arith.constant true
    %reduce_sum3A_57 = vector.broadcast %reduce_sum3A_56 : i1 to vector<16xi1>
    %reduce_sum3A_58 = tpu.scan <sum>, %select_n3A_55 masked %reduce_sum3A_57 : vector<16xf32>, vector<16xi1> -> vector<16xf32>
    %reduce_sum3A_59 = vector.extract %reduce_sum3A_58[15] : f32 from vector<16xf32>
    %broadcast_in_dim3A_60 = arith.constant 3.400000e+38 : f32
    %broadcast_in_dim3A_61 = vector.broadcast %broadcast_in_dim3A_60 : f32 to vector<16xf32>
    %dma_wait3A = arith.constant 0 : i32
    %dma_wait3A_62 = arith.constant 0 : i32
    %dma_wait3A_63 = tpu.memref_slice %arg6[%dma_wait3A, %dma_wait3A_62] : memref<6x6400xf32, #tpu.memory_space<vmem>> -> memref<6x3200xf32, #tpu.memory_space<vmem>>
    %dma_wait3A_64 = arith.constant 0 : i32
    %dma_wait3A_65 = tpu.memref_slice %arg2[%dma_wait3A_64, %multiple_of3A] : memref<6x100000xf32, #tpu.memory_space<hbm>> -> memref<6x3200xf32, #tpu.memory_space<hbm>>
    %dma_wait3A_66 = arith.constant 0 : i32
    %dma_wait3A_67 = arith.constant 0 : i32
    %dma_wait3A_68 = tpu.memref_slice %arg6[%dma_wait3A_66, %dma_wait3A_67] : memref<6x6400xf32, #tpu.memory_space<vmem>> -> memref<6x3200xf32, #tpu.memory_space<vmem>>
    %dma_wait3A_69 = arith.constant 0 : i32
    %dma_wait3A_70 = tpu.memref_slice %arg2[%dma_wait3A_69, %multiple_of3A] : memref<6x100000xf32, #tpu.memory_space<hbm>> -> memref<6x3200xf32, #tpu.memory_space<hbm>>
    tpu.wait_dma2 semaphore(%arg12 : memref<!tpu.dma_semaphore, #tpu.memory_space<semaphore_mem>>) src(%dma_wait3A_70 : memref<6x3200xf32, #tpu.memory_space<hbm>>) dst(%dma_wait3A_68 : memref<6x3200xf32, #tpu.memory_space<vmem>>)
    %parallel_loop3A = arith.constant 0 : i32
    %parallel_loop3A_71 = arith.constant 3200 : i32
    %parallel_loop3A_72 = arith.constant 16 : i32
    %parallel_loop3A_73:2 = scf.for %parallel_loop3A_212 = %parallel_loop3A to %parallel_loop3A_71 step %parallel_loop3A_72 iter_args(%parallel_loop3A_213 = %broadcast_in_dim3A_61, %parallel_loop3A_214 = %broadcast_in_dim3A_40) -> (vector<16xf32>, vector<16xi32>)  : i32 {
      %parallel_loop3A_215 = arith.constant 1 : i32
      %parallel_loop3A_216 = arith.index_cast %parallel_loop3A_215 : i32 to index
      %parallel_loop3A_217 = arith.index_cast %parallel_loop3A_212 : i32 to index
      %parallel_loop3A_218 = tpu.vector_load %arg6[%parallel_loop3A_216, %parallel_loop3A_217] {strides = array<i32>} : memref<6x6400xf32, #tpu.memory_space<vmem>>, vector<16xf32>,
      %parallel_loop3A_219 = arith.constant 2 : i32
      %parallel_loop3A_220 = arith.index_cast %parallel_loop3A_219 : i32 to index
      %parallel_loop3A_221 = arith.index_cast %parallel_loop3A_212 : i32 to index
      %parallel_loop3A_222 = tpu.vector_load %arg6[%parallel_loop3A_220, %parallel_loop3A_221] {strides = array<i32>} : memref<6x6400xf32, #tpu.memory_space<vmem>>, vector<16xf32>,
      %parallel_loop3A_223 = vector.broadcast %reduce_sum3A_49 : f32 to vector<16xf32>
      %parallel_loop3A_224 = arith.subf %parallel_loop3A_218, %parallel_loop3A_223 : vector<16xf32>
      %parallel_loop3A_225 = vector.broadcast %reduce_sum3A_59 : f32 to vector<16xf32>
      %parallel_loop3A_226 = arith.subf %parallel_loop3A_222, %parallel_loop3A_225 : vector<16xf32>
      %parallel_loop3A_227 = arith.mulf %parallel_loop3A_224, %parallel_loop3A_224 : vector<16xf32>
      %parallel_loop3A_228 = arith.mulf %parallel_loop3A_226, %parallel_loop3A_226 : vector<16xf32>
      %parallel_loop3A_229 = arith.addf %parallel_loop3A_227, %parallel_loop3A_228 : vector<16xf32>
      %parallel_loop3A_230 = arith.cmpf olt, %parallel_loop3A_229, %parallel_loop3A_213 : vector<16xf32>
      %parallel_loop3A_231 = arith.select %parallel_loop3A_230, %parallel_loop3A_229, %parallel_loop3A_213 : vector<16xi1>, vector<16xf32>
      %parallel_loop3A_232 = vector.broadcast %parallel_loop3A_212 : i32 to vector<16xi32>
      %parallel_loop3A_233 = arith.addi %parallel_loop3A_232, %iota3A : vector<16xi32>
      %parallel_loop3A_234 = arith.select %parallel_loop3A_230, %parallel_loop3A_233, %parallel_loop3A_214 : vector<16xi1>, vector<16xi32>
      scf.yield %parallel_loop3A_231, %parallel_loop3A_234 : vector<16xf32>, vector<16xi32>
    } {sc.loop_unroll_factor = 10 : i64, sc.parallel_access}
    %dma_wait3A_74 = arith.constant 0 : i32
    %dma_wait3A_75 = arith.constant 3200 : i32
    %dma_wait3A_76 = tpu.memref_slice %arg6[%dma_wait3A_74, %dma_wait3A_75] : memref<6x6400xf32, #tpu.memory_space<vmem>> -> memref<6x3200xf32, #tpu.memory_space<vmem>>
    %dma_wait3A_77 = arith.constant 0 : i32
    %dma_wait3A_78 = tpu.memref_slice %arg2[%dma_wait3A_77, %add3A_29] : memref<6x100000xf32, #tpu.memory_space<hbm>> -> memref<6x3200xf32, #tpu.memory_space<hbm>>
    %dma_wait3A_79 = arith.constant 0 : i32
    %dma_wait3A_80 = arith.constant 3200 : i32
    %dma_wait3A_81 = tpu.memref_slice %arg6[%dma_wait3A_79, %dma_wait3A_80] : memref<6x6400xf32, #tpu.memory_space<vmem>> -> memref<6x3200xf32, #tpu.memory_space<vmem>>
    %dma_wait3A_82 = arith.constant 0 : i32
    %dma_wait3A_83 = tpu.memref_slice %arg2[%dma_wait3A_82, %add3A_29] : memref<6x100000xf32, #tpu.memory_space<hbm>> -> memref<6x3200xf32, #tpu.memory_space<hbm>>
    tpu.wait_dma2 semaphore(%arg13 : memref<!tpu.dma_semaphore, #tpu.memory_space<semaphore_mem>>) src(%dma_wait3A_83 : memref<6x3200xf32, #tpu.memory_space<hbm>>) dst(%dma_wait3A_81 : memref<6x3200xf32, #tpu.memory_space<vmem>>)
    %parallel_loop3A_84 = arith.constant 3200 : i32
    %parallel_loop3A_85 = arith.constant 6400 : i32
    %parallel_loop3A_86 = arith.constant 16 : i32
    %parallel_loop3A_87:2 = scf.for %parallel_loop3A_212 = %parallel_loop3A_84 to %parallel_loop3A_85 step %parallel_loop3A_86 iter_args(%parallel_loop3A_213 = %parallel_loop3A_73#0, %parallel_loop3A_214 = %parallel_loop3A_73#1) -> (vector<16xf32>, vector<16xi32>)  : i32 {
      %parallel_loop3A_215 = arith.constant 1 : i32
      %parallel_loop3A_216 = arith.index_cast %parallel_loop3A_215 : i32 to index
      %parallel_loop3A_217 = arith.index_cast %parallel_loop3A_212 : i32 to index
      %parallel_loop3A_218 = tpu.vector_load %arg6[%parallel_loop3A_216, %parallel_loop3A_217] {strides = array<i32>} : memref<6x6400xf32, #tpu.memory_space<vmem>>, vector<16xf32>,
      %parallel_loop3A_219 = arith.constant 2 : i32
      %parallel_loop3A_220 = arith.index_cast %parallel_loop3A_219 : i32 to index
      %parallel_loop3A_221 = arith.index_cast %parallel_loop3A_212 : i32 to index
      %parallel_loop3A_222 = tpu.vector_load %arg6[%parallel_loop3A_220, %parallel_loop3A_221] {strides = array<i32>} : memref<6x6400xf32, #tpu.memory_space<vmem>>, vector<16xf32>,
      %parallel_loop3A_223 = vector.broadcast %reduce_sum3A_49 : f32 to vector<16xf32>
      %parallel_loop3A_224 = arith.subf %parallel_loop3A_218, %parallel_loop3A_223 : vector<16xf32>
      %parallel_loop3A_225 = vector.broadcast %reduce_sum3A_59 : f32 to vector<16xf32>
      %parallel_loop3A_226 = arith.subf %parallel_loop3A_222, %parallel_loop3A_225 : vector<16xf32>
      %parallel_loop3A_227 = arith.mulf %parallel_loop3A_224, %parallel_loop3A_224 : vector<16xf32>
      %parallel_loop3A_228 = arith.mulf %parallel_loop3A_226, %parallel_loop3A_226 : vector<16xf32>
      %parallel_loop3A_229 = arith.addf %parallel_loop3A_227, %parallel_loop3A_228 : vector<16xf32>
      %parallel_loop3A_230 = arith.cmpf olt, %parallel_loop3A_229, %parallel_loop3A_213 : vector<16xf32>
      %parallel_loop3A_231 = arith.select %parallel_loop3A_230, %parallel_loop3A_229, %parallel_loop3A_213 : vector<16xi1>, vector<16xf32>
      %parallel_loop3A_232 = vector.broadcast %parallel_loop3A_212 : i32 to vector<16xi32>
      %parallel_loop3A_233 = arith.addi %parallel_loop3A_232, %iota3A : vector<16xi32>
      %parallel_loop3A_234 = arith.select %parallel_loop3A_230, %parallel_loop3A_233, %parallel_loop3A_214 : vector<16xi1>, vector<16xi32>
      scf.yield %parallel_loop3A_231, %parallel_loop3A_234 : vector<16xf32>, vector<16xi32>
    } {sc.loop_unroll_factor = 10 : i64, sc.parallel_access}
    %reduce_min3A = arith.constant true
    %reduce_min3A_88 = vector.broadcast %reduce_min3A : i1 to vector<16xi1>
    %reduce_min3A_89 = tpu.scan <min>, %parallel_loop3A_87#0 masked %reduce_min3A_88 : vector<16xf32>, vector<16xi1> -> vector<16xf32>
    %reduce_min3A_90 = vector.extract %reduce_min3A_89[15] : f32 from vector<16xf32>
    %eq3A_91 = vector.broadcast %reduce_min3A_90 : f32 to vector<16xf32>
    %eq3A_92 = arith.cmpf oeq, %parallel_loop3A_87#0, %eq3A_91 : vector<16xf32>
    %jit3A_93 = arith.constant 2147483647 : i32
    %broadcast_in_dim3A_94 = vector.broadcast %jit3A_93 : i32 to vector<16xi32>
    %select_n3A_95 = arith.select %eq3A_92, %parallel_loop3A_87#1, %broadcast_in_dim3A_94 : vector<16xi1>, vector<16xi32>
    %reduce_min3A_96 = arith.constant true
    %reduce_min3A_97 = vector.broadcast %reduce_min3A_96 : i1 to vector<16xi1>
    %reduce_min3A_98 = arith.constant -2147483648 : i32
    %reduce_min3A_99 = vector.broadcast %reduce_min3A_98 : i32 to vector<16xi32>
    %reduce_min3A_100 = arith.xori %select_n3A_95, %reduce_min3A_99 : vector<16xi32>
    %reduce_min3A_101 = tpu.scan <min>, %reduce_min3A_100 masked %reduce_min3A_97 : vector<16xi32>, vector<16xi1> -> vector<16xi32>
    %reduce_min3A_102 = arith.xori %reduce_min3A_101, %reduce_min3A_99 : vector<16xi32>
    %reduce_min3A_103 = vector.extract %reduce_min3A_102[15] : i32 from vector<16xi32>
    %add3A_104 = arith.addi %multiple_of3A, %reduce_min3A_103 : i32
    %convert_element_type3A = arith.sitofp %add3A_104 : i32 to f32
    %jit3A_105 = arith.constant 16 : i32
    %div3A_106 = arith.divsi %reduce_min3A_103, %jit3A_105 : i32
    %sign3A_107 = arith.constant 0 : i32
    %sign3A_108 = arith.cmpi sgt, %reduce_min3A_103, %sign3A_107 : i32
    %sign3A_109 = arith.extui %sign3A_108 : i1 to i32
    %sign3A_110 = arith.constant 0 : i32
    %sign3A_111 = arith.cmpi slt, %reduce_min3A_103, %sign3A_110 : i32
    %sign3A_112 = arith.extui %sign3A_111 : i1 to i32
    %sign3A_113 = arith.subi %sign3A_109, %sign3A_112 : i32
    %sign3A_114 = arith.constant 0 : i32
    %sign3A_115 = arith.cmpi sgt, %jit3A_105, %sign3A_114 : i32
    %sign3A_116 = arith.extui %sign3A_115 : i1 to i32
    %sign3A_117 = arith.constant 0 : i32
    %sign3A_118 = arith.cmpi slt, %jit3A_105, %sign3A_117 : i32
    %sign3A_119 = arith.extui %sign3A_118 : i1 to i32
    %sign3A_120 = arith.subi %sign3A_116, %sign3A_119 : i32
    %ne3A_121 = arith.cmpi ne, %sign3A_113, %sign3A_120 : i32
    %rem3A_122 = arith.remsi %reduce_min3A_103, %jit3A_105 : i32
    %ne3A_123 = arith.constant 0 : i32
    %ne3A_124 = arith.cmpi ne, %rem3A_122, %ne3A_123 : i32
    %and3A_125 = arith.andi %ne3A_121, %ne3A_124 : i1
    %sub3A_126 = arith.constant 1 : i32
    %sub3A_127 = arith.subi %div3A_106, %sub3A_126 : i32
    %select_n3A_128 = arith.select %and3A_125, %sub3A_127, %div3A_106 : i32
    %mul3A_129 = arith.constant 16 : i32
    %mul3A_130 = arith.muli %select_n3A_128, %mul3A_129 : i32
    %multiple_of3A_131 = tpu.assume_multiple %mul3A_130, 16 : i32
    %sub3A_132 = arith.subi %reduce_min3A_103, %multiple_of3A_131 : i32
    %eq3A_133 = vector.broadcast %sub3A_132 : i32 to vector<16xi32>
    %eq3A_134 = arith.cmpi eq, %iota3A, %eq3A_133 : vector<16xi32>
    %get3A_135 = arith.constant 1 : i32
    %get3A_136 = arith.index_cast %get3A_135 : i32 to index
    %get3A_137 = arith.index_cast %multiple_of3A_131 : i32 to index
    %get3A_138 = tpu.vector_load %arg6[%get3A_136, %get3A_137] {strides = array<i32>} : memref<6x6400xf32, #tpu.memory_space<vmem>>, vector<16xf32>,
    %jit3A_139 = arith.constant 0.000000e+00 : f32
    %broadcast_in_dim3A_140 = vector.broadcast %jit3A_139 : f32 to vector<16xf32>
    %select_n3A_141 = arith.select %eq3A_134, %get3A_138, %broadcast_in_dim3A_140 : vector<16xi1>, vector<16xf32>
    %reduce_sum3A_142 = arith.constant true
    %reduce_sum3A_143 = vector.broadcast %reduce_sum3A_142 : i1 to vector<16xi1>
    %reduce_sum3A_144 = tpu.scan <sum>, %select_n3A_141 masked %reduce_sum3A_143 : vector<16xf32>, vector<16xi1> -> vector<16xf32>
    %reduce_sum3A_145 = vector.extract %reduce_sum3A_144[15] : f32 from vector<16xf32>
    %get3A_146 = arith.constant 2 : i32
    %get3A_147 = arith.index_cast %get3A_146 : i32 to index
    %get3A_148 = arith.index_cast %multiple_of3A_131 : i32 to index
    %get3A_149 = tpu.vector_load %arg6[%get3A_147, %get3A_148] {strides = array<i32>} : memref<6x6400xf32, #tpu.memory_space<vmem>>, vector<16xf32>,
    %jit3A_150 = arith.constant 0.000000e+00 : f32
    %broadcast_in_dim3A_151 = vector.broadcast %jit3A_150 : f32 to vector<16xf32>
    %select_n3A_152 = arith.select %eq3A_134, %get3A_149, %broadcast_in_dim3A_151 : vector<16xi1>, vector<16xf32>
    %reduce_sum3A_153 = arith.constant true
    %reduce_sum3A_154 = vector.broadcast %reduce_sum3A_153 : i1 to vector<16xi1>
    %reduce_sum3A_155 = tpu.scan <sum>, %select_n3A_152 masked %reduce_sum3A_154 : vector<16xf32>, vector<16xi1> -> vector<16xf32>
    %reduce_sum3A_156 = vector.extract %reduce_sum3A_155[15] : f32 from vector<16xf32>
    %get3A_157 = arith.constant 3 : i32
    %get3A_158 = arith.index_cast %get3A_157 : i32 to index
    %get3A_159 = arith.index_cast %multiple_of3A_131 : i32 to index
    %get3A_160 = tpu.vector_load %arg6[%get3A_158, %get3A_159] {strides = array<i32>} : memref<6x6400xf32, #tpu.memory_space<vmem>>, vector<16xf32>,
    %jit3A_161 = arith.constant 0.000000e+00 : f32
    %broadcast_in_dim3A_162 = vector.broadcast %jit3A_161 : f32 to vector<16xf32>
    %select_n3A_163 = arith.select %eq3A_134, %get3A_160, %broadcast_in_dim3A_162 : vector<16xi1>, vector<16xf32>
    %reduce_sum3A_164 = arith.constant true
    %reduce_sum3A_165 = vector.broadcast %reduce_sum3A_164 : i1 to vector<16xi1>
    %reduce_sum3A_166 = tpu.scan <sum>, %select_n3A_163 masked %reduce_sum3A_165 : vector<16xf32>, vector<16xi1> -> vector<16xf32>
    %reduce_sum3A_167 = vector.extract %reduce_sum3A_166[15] : f32 from vector<16xf32>
    %get3A_168 = arith.constant 5 : i32
    %get3A_169 = arith.index_cast %get3A_168 : i32 to index
    %get3A_170 = arith.index_cast %multiple_of3A_131 : i32 to index
    %get3A_171 = tpu.vector_load %arg6[%get3A_169, %get3A_170] {strides = array<i32>} : memref<6x6400xf32, #tpu.memory_space<vmem>>, vector<16xf32>,
    %jit3A_172 = arith.constant 0.000000e+00 : f32
    %broadcast_in_dim3A_173 = vector.broadcast %jit3A_172 : f32 to vector<16xf32>
    %select_n3A_174 = arith.select %eq3A_134, %get3A_171, %broadcast_in_dim3A_173 : vector<16xi1>, vector<16xf32>
    %reduce_sum3A_175 = arith.constant true
    %reduce_sum3A_176 = vector.broadcast %reduce_sum3A_175 : i1 to vector<16xi1>
    %reduce_sum3A_177 = tpu.scan <sum>, %select_n3A_174 masked %reduce_sum3A_176 : vector<16xf32>, vector<16xi1> -> vector<16xf32>
    %reduce_sum3A_178 = vector.extract %reduce_sum3A_177[15] : f32 from vector<16xf32>
    %eq3A_179 = arith.constant 0 : i32
    %eq3A_180 = vector.broadcast %eq3A_179 : i32 to vector<16xi32>
    %eq3A_181 = arith.cmpi eq, %iota3A, %eq3A_180 : vector<16xi32>
    %eq3A_182 = arith.constant 1 : i32
    %eq3A_183 = vector.broadcast %eq3A_182 : i32 to vector<16xi32>
    %eq3A_184 = arith.cmpi eq, %iota3A, %eq3A_183 : vector<16xi32>
    %eq3A_185 = arith.constant 3 : i32
    %eq3A_186 = vector.broadcast %eq3A_185 : i32 to vector<16xi32>
    %eq3A_187 = arith.cmpi eq, %iota3A, %eq3A_186 : vector<16xi32>
    %eq3A_188 = arith.constant 4 : i32
    %eq3A_189 = vector.broadcast %eq3A_188 : i32 to vector<16xi32>
    %eq3A_190 = arith.cmpi eq, %iota3A, %eq3A_189 : vector<16xi32>
    %eq3A_191 = arith.constant 5 : i32
    %eq3A_192 = vector.broadcast %eq3A_191 : i32 to vector<16xi32>
    %eq3A_193 = arith.cmpi eq, %iota3A, %eq3A_192 : vector<16xi32>
    %broadcast_in_dim3A_194 = vector.broadcast %reduce_sum3A_167 : f32 to vector<16xf32>
    %broadcast_in_dim3A_195 = vector.broadcast %reduce_sum3A_178 : f32 to vector<16xf32>
    %select_n3A_196 = arith.select %eq3A_193, %broadcast_in_dim3A_194, %broadcast_in_dim3A_195 : vector<16xi1>, vector<16xf32>
    %broadcast_in_dim3A_197 = vector.broadcast %reduce_sum3A_156 : f32 to vector<16xf32>
    %select_n3A_198 = arith.select %eq3A_190, %broadcast_in_dim3A_197, %select_n3A_196 : vector<16xi1>, vector<16xf32>
    %broadcast_in_dim3A_199 = vector.broadcast %reduce_sum3A_145 : f32 to vector<16xf32>
    %select_n3A_200 = arith.select %eq3A_187, %broadcast_in_dim3A_199, %select_n3A_198 : vector<16xi1>, vector<16xf32>
    %broadcast_in_dim3A_201 = vector.broadcast %convert_element_type3A : f32 to vector<16xf32>
    %select_n3A_202 = arith.select %eq3A_184, %broadcast_in_dim3A_201, %select_n3A_200 : vector<16xi1>, vector<16xf32>
    %broadcast_in_dim3A_203 = vector.broadcast %reduce_min3A_90 : f32 to vector<16xf32>
    %select_n3A_204 = arith.select %eq3A_181, %broadcast_in_dim3A_203, %select_n3A_202 : vector<16xi1>, vector<16xf32>
    %swap3A = arith.constant 0 : index
    %swap3A_205 = tpu.vector_load %arg10[%swap3A] {strides = array<i32>} : memref<16xf32, #tpu.memory_space<vmem>>, vector<16xf32>,
    tpu.vector_store %arg10[%swap3A], %select_n3A_204 {strides = array<i32>} : memref<16xf32, #tpu.memory_space<vmem>>, vector<16xf32>,
    %mul3A_206 = arith.constant 16 : i32
    %mul3A_207 = arith.muli %arg1, %mul3A_206 : i32
    "tpu.region"() ({
      %run_scoped3A = tpu.sem_alloc : memref<!tpu.dma_semaphore, #tpu.memory_space<semaphore_mem>>
      %dma_start3A_212 = tpu.memref_slice %arg11[%mul3A_207] : memref<256xf32, #tpu.memory_space<vmem_shared>> -> memref<16xf32, #tpu.memory_space<vmem_shared>>
      %dma_start3A_213 = tpu.memref_slice %arg11[%mul3A_207] : memref<256xf32, #tpu.memory_space<vmem_shared>> -> memref<16xf32, #tpu.memory_space<vmem_shared>>
      tpu.enqueue_dma source(%arg10 : memref<16xf32, #tpu.memory_space<vmem>>) target(%dma_start3A_213 : memref<16xf32, #tpu.memory_space<vmem_shared>>) target_semaphore(%run_scoped3A : memref<!tpu.dma_semaphore, #tpu.memory_space<semaphore_mem>>)
      %dma_wait3A_214 = tpu.memref_slice %arg11[%mul3A_207] : memref<256xf32, #tpu.memory_space<vmem_shared>> -> memref<16xf32, #tpu.memory_space<vmem_shared>>
      %dma_wait3A_215 = tpu.memref_slice %arg11[%mul3A_207] : memref<256xf32, #tpu.memory_space<vmem_shared>> -> memref<16xf32, #tpu.memory_space<vmem_shared>>
      tpu.wait_dma2 semaphore(%run_scoped3A : memref<!tpu.dma_semaphore, #tpu.memory_space<semaphore_mem>>) src(%arg10 : memref<16xf32, #tpu.memory_space<vmem>>) dst(%dma_wait3A_215 : memref<16xf32, #tpu.memory_space<vmem_shared>>)
      tpu.yield
    }) : () -> ()
    %barrier3A = arith.constant 0 : index
    tpu.barrier barrier_id(%barrier3A)
    %eq3A_208 = arith.constant 0 : i32
    %eq3A_209 = arith.cmpi eq, %arg1, %eq3A_208 : i32
    %convert_element_type3A_210 = arith.extui %eq3A_209 : i1 to i32
    %cond3A = arith.constant 0 : i32
    %cond3A_211 = arith.cmpi ne, %convert_element_type3A_210, %cond3A : i32
    scf.if %cond3A_211 {
      "tpu.region"() ({
        %run_scoped3A_737 = tpu.sem_alloc : memref<!tpu.dma_semaphore, #tpu.memory_space<semaphore_mem>>
        tpu.enqueue_dma source(%arg11 : memref<256xf32, #tpu.memory_space<vmem_shared>>) target(%arg9 : memref<256xf32, #tpu.memory_space<vmem>>) target_semaphore(%run_scoped3A_737 : memref<!tpu.dma_semaphore, #tpu.memory_space<semaphore_mem>>)
        tpu.wait_dma2 semaphore(%run_scoped3A_737 : memref<!tpu.dma_semaphore, #tpu.memory_space<semaphore_mem>>) src(%arg11 : memref<256xf32, #tpu.memory_space<vmem_shared>>) dst(%arg9 : memref<256xf32, #tpu.memory_space<vmem>>)
        tpu.yield
      }) : () -> ()
      %mul3A_212 = arith.constant 16 : i32
      %mul3A_213 = vector.broadcast %mul3A_212 : i32 to vector<16xi32>
      %mul3A_214 = arith.muli %iota3A, %mul3A_213 : vector<16xi32>
      %gather3A = tpu.vector_load_idx %arg9[%mul3A_214] : memref<256xf32, #tpu.memory_space<vmem>>[vector<16xi32>], vector<16xf32>,
      %mul3A_215 = arith.constant 16 : i32
      %mul3A_216 = vector.broadcast %mul3A_215 : i32 to vector<16xi32>
      %mul3A_217 = arith.muli %iota3A, %mul3A_216 : vector<16xi32>
      %add3A_218 = arith.constant 1 : i32
      %add3A_219 = vector.broadcast %add3A_218 : i32 to vector<16xi32>
      %add3A_220 = arith.addi %mul3A_217, %add3A_219 : vector<16xi32>
      %gather3A_221 = tpu.vector_load_idx %arg9[%add3A_220] : memref<256xf32, #tpu.memory_space<vmem>>[vector<16xi32>], vector<16xf32>,
      %reduce_min3A_222 = arith.constant true
      %reduce_min3A_223 = vector.broadcast %reduce_min3A_222 : i1 to vector<16xi1>
      %reduce_min3A_224 = tpu.scan <min>, %gather3A masked %reduce_min3A_223 : vector<16xf32>, vector<16xi1> -> vector<16xf32>
      %reduce_min3A_225 = vector.extract %reduce_min3A_224[15] : f32 from vector<16xf32>
      %mul3A_226 = arith.constant 1.600000e+01 : f32
      %mul3A_227 = vector.broadcast %mul3A_226 : f32 to vector<16xf32>
      %mul3A_228 = arith.mulf %gather3A_221, %mul3A_227 : vector<16xf32>
      %convert_element_type3A_229 = arith.sitofp %iota3A : vector<16xi32> to vector<16xf32>
      %add3A_230 = arith.addf %mul3A_228, %convert_element_type3A_229 : vector<16xf32>
      %le3A = vector.broadcast %reduce_min3A_225 : f32 to vector<16xf32>
      %le3A_231 = arith.cmpf ole, %gather3A, %le3A : vector<16xf32>
      %jit3A_232 = arith.constant 3.400000e+38 : f32
      %broadcast_in_dim3A_233 = vector.broadcast %jit3A_232 : f32 to vector<16xf32>
      %select_n3A_234 = arith.select %le3A_231, %add3A_230, %broadcast_in_dim3A_233 : vector<16xi1>, vector<16xf32>
      %reduce_min3A_235 = arith.constant true
      %reduce_min3A_236 = vector.broadcast %reduce_min3A_235 : i1 to vector<16xi1>
      %reduce_min3A_237 = tpu.scan <min>, %select_n3A_234 masked %reduce_min3A_236 : vector<16xf32>, vector<16xi1> -> vector<16xf32>
      %reduce_min3A_238 = vector.extract %reduce_min3A_237[15] : f32 from vector<16xf32>
      %eq3A_239 = vector.broadcast %reduce_min3A_238 : f32 to vector<16xf32>
      %eq3A_240 = arith.cmpf oeq, %add3A_230, %eq3A_239 : vector<16xf32>
      %mul3A_241 = arith.constant 16 : i32
      %mul3A_242 = vector.broadcast %mul3A_241 : i32 to vector<16xi32>
      %mul3A_243 = arith.muli %iota3A, %mul3A_242 : vector<16xi32>
      %add3A_244 = arith.constant 3 : i32
      %add3A_245 = vector.broadcast %add3A_244 : i32 to vector<16xi32>
      %add3A_246 = arith.addi %mul3A_243, %add3A_245 : vector<16xi32>
      %gather3A_247 = tpu.vector_load_idx %arg9[%add3A_246] : memref<256xf32, #tpu.memory_space<vmem>>[vector<16xi32>], vector<16xf32>,
      %jit3A_248 = arith.constant 0.000000e+00 : f32
      %broadcast_in_dim3A_249 = vector.broadcast %jit3A_248 : f32 to vector<16xf32>
      %select_n3A_250 = arith.select %eq3A_240, %gather3A_247, %broadcast_in_dim3A_249 : vector<16xi1>, vector<16xf32>
      %reduce_sum3A_251 = arith.constant true
      %reduce_sum3A_252 = vector.broadcast %reduce_sum3A_251 : i1 to vector<16xi1>
      %reduce_sum3A_253 = tpu.scan <sum>, %select_n3A_250 masked %reduce_sum3A_252 : vector<16xf32>, vector<16xi1> -> vector<16xf32>
      %reduce_sum3A_254 = vector.extract %reduce_sum3A_253[15] : f32 from vector<16xf32>
      %mul3A_255 = arith.constant 16 : i32
      %mul3A_256 = vector.broadcast %mul3A_255 : i32 to vector<16xi32>
      %mul3A_257 = arith.muli %iota3A, %mul3A_256 : vector<16xi32>
      %add3A_258 = arith.constant 4 : i32
      %add3A_259 = vector.broadcast %add3A_258 : i32 to vector<16xi32>
      %add3A_260 = arith.addi %mul3A_257, %add3A_259 : vector<16xi32>
      %gather3A_261 = tpu.vector_load_idx %arg9[%add3A_260] : memref<256xf32, #tpu.memory_space<vmem>>[vector<16xi32>], vector<16xf32>,
      %jit3A_262 = arith.constant 0.000000e+00 : f32
      %broadcast_in_dim3A_263 = vector.broadcast %jit3A_262 : f32 to vector<16xf32>
      %select_n3A_264 = arith.select %eq3A_240, %gather3A_261, %broadcast_in_dim3A_263 : vector<16xi1>, vector<16xf32>
      %reduce_sum3A_265 = arith.constant true
      %reduce_sum3A_266 = vector.broadcast %reduce_sum3A_265 : i1 to vector<16xi1>
      %reduce_sum3A_267 = tpu.scan <sum>, %select_n3A_264 masked %reduce_sum3A_266 : vector<16xf32>, vector<16xi1> -> vector<16xf32>
      %reduce_sum3A_268 = vector.extract %reduce_sum3A_267[15] : f32 from vector<16xf32>
      %mul3A_269 = arith.constant 16 : i32
      %mul3A_270 = vector.broadcast %mul3A_269 : i32 to vector<16xi32>
      %mul3A_271 = arith.muli %iota3A, %mul3A_270 : vector<16xi32>
      %add3A_272 = arith.constant 5 : i32
      %add3A_273 = vector.broadcast %add3A_272 : i32 to vector<16xi32>
      %add3A_274 = arith.addi %mul3A_271, %add3A_273 : vector<16xi32>
      %gather3A_275 = tpu.vector_load_idx %arg9[%add3A_274] : memref<256xf32, #tpu.memory_space<vmem>>[vector<16xi32>], vector<16xf32>,
      %jit3A_276 = arith.constant 0.000000e+00 : f32
      %broadcast_in_dim3A_277 = vector.broadcast %jit3A_276 : f32 to vector<16xf32>
      %select_n3A_278 = arith.select %eq3A_240, %gather3A_275, %broadcast_in_dim3A_277 : vector<16xi1>, vector<16xf32>
      %reduce_sum3A_279 = arith.constant true
      %reduce_sum3A_280 = vector.broadcast %reduce_sum3A_279 : i1 to vector<16xi1>
      %reduce_sum3A_281 = tpu.scan <sum>, %select_n3A_278 masked %reduce_sum3A_280 : vector<16xf32>, vector<16xi1> -> vector<16xf32>
      %reduce_sum3A_282 = vector.extract %reduce_sum3A_281[15] : f32 from vector<16xf32>
      %mul3A_283 = arith.constant 16 : i32
      %mul3A_284 = vector.broadcast %mul3A_283 : i32 to vector<16xi32>
      %mul3A_285 = arith.muli %iota3A, %mul3A_284 : vector<16xi32>
      %add3A_286 = arith.constant 7 : i32
      %add3A_287 = vector.broadcast %add3A_286 : i32 to vector<16xi32>
      %add3A_288 = arith.addi %mul3A_285, %add3A_287 : vector<16xi32>
      %gather3A_289 = tpu.vector_load_idx %arg9[%add3A_288] : memref<256xf32, #tpu.memory_space<vmem>>[vector<16xi32>], vector<16xf32>,
      %jit3A_290 = arith.constant 0.000000e+00 : f32
      %broadcast_in_dim3A_291 = vector.broadcast %jit3A_290 : f32 to vector<16xf32>
      %select_n3A_292 = arith.select %eq3A_240, %gather3A_289, %broadcast_in_dim3A_291 : vector<16xi1>, vector<16xf32>
      %reduce_sum3A_293 = arith.constant true
      %reduce_sum3A_294 = vector.broadcast %reduce_sum3A_293 : i1 to vector<16xi1>
      %reduce_sum3A_295 = tpu.scan <sum>, %select_n3A_292 masked %reduce_sum3A_294 : vector<16xf32>, vector<16xi1> -> vector<16xf32>
      %reduce_sum3A_296 = vector.extract %reduce_sum3A_295[15] : f32 from vector<16xf32>
      %broadcast_in_dim3A_297 = arith.constant 3.400000e+38 : f32
      %broadcast_in_dim3A_298 = vector.broadcast %broadcast_in_dim3A_297 : f32 to vector<16xf32>
      %get3A_299 = arith.constant 0 : index
      %get3A_300 = tpu.vector_load %arg8[%get3A_299] {strides = array<i32>} : memref<128xf32, #tpu.memory_space<vmem>>, vector<16xf32>,
      %get3A_301 = arith.constant 32 : index
      %get3A_302 = tpu.vector_load %arg8[%get3A_301] {strides = array<i32>} : memref<128xf32, #tpu.memory_space<vmem>>, vector<16xf32>,
      %sub3A_303 = vector.broadcast %reduce_sum3A_49 : f32 to vector<16xf32>
      %sub3A_304 = arith.subf %get3A_300, %sub3A_303 : vector<16xf32>
      %sub3A_305 = vector.broadcast %reduce_sum3A_59 : f32 to vector<16xf32>
      %sub3A_306 = arith.subf %get3A_302, %sub3A_305 : vector<16xf32>
      %mul3A_307 = arith.mulf %sub3A_304, %sub3A_304 : vector<16xf32>
      %mul3A_308 = arith.mulf %sub3A_306, %sub3A_306 : vector<16xf32>
      %add3A_309 = arith.addf %mul3A_307, %mul3A_308 : vector<16xf32>
      %lt3A = arith.cmpf olt, %add3A_309, %broadcast_in_dim3A_298 : vector<16xf32>
      %select_n3A_310 = arith.select %lt3A, %add3A_309, %broadcast_in_dim3A_298 : vector<16xi1>, vector<16xf32>
      %add3A_311 = arith.constant 0 : i32
      %add3A_312 = vector.broadcast %add3A_311 : i32 to vector<16xi32>
      %add3A_313 = arith.addi %add3A_312, %iota3A : vector<16xi32>
      %select_n3A_314 = arith.select %lt3A, %add3A_313, %broadcast_in_dim3A_40 : vector<16xi1>, vector<16xi32>
      %get3A_315 = arith.constant 16 : index
      %get3A_316 = tpu.vector_load %arg8[%get3A_315] {strides = array<i32>} : memref<128xf32, #tpu.memory_space<vmem>>, vector<16xf32>,
      %get3A_317 = arith.constant 48 : index
      %get3A_318 = tpu.vector_load %arg8[%get3A_317] {strides = array<i32>} : memref<128xf32, #tpu.memory_space<vmem>>, vector<16xf32>,
      %sub3A_319 = vector.broadcast %reduce_sum3A_49 : f32 to vector<16xf32>
      %sub3A_320 = arith.subf %get3A_316, %sub3A_319 : vector<16xf32>
      %sub3A_321 = vector.broadcast %reduce_sum3A_59 : f32 to vector<16xf32>
      %sub3A_322 = arith.subf %get3A_318, %sub3A_321 : vector<16xf32>
      %mul3A_323 = arith.mulf %sub3A_320, %sub3A_320 : vector<16xf32>
      %mul3A_324 = arith.mulf %sub3A_322, %sub3A_322 : vector<16xf32>
      %add3A_325 = arith.addf %mul3A_323, %mul3A_324 : vector<16xf32>
      %lt3A_326 = arith.cmpf olt, %add3A_325, %select_n3A_310 : vector<16xf32>
      %select_n3A_327 = arith.select %lt3A_326, %add3A_325, %select_n3A_310 : vector<16xi1>, vector<16xf32>
      %add3A_328 = arith.constant 16 : i32
      %add3A_329 = vector.broadcast %add3A_328 : i32 to vector<16xi32>
      %add3A_330 = arith.addi %add3A_329, %iota3A : vector<16xi32>
      %select_n3A_331 = arith.select %lt3A_326, %add3A_330, %select_n3A_314 : vector<16xi1>, vector<16xi32>
      %reduce_min3A_332 = arith.constant true
      %reduce_min3A_333 = vector.broadcast %reduce_min3A_332 : i1 to vector<16xi1>
      %reduce_min3A_334 = tpu.scan <min>, %select_n3A_327 masked %reduce_min3A_333 : vector<16xf32>, vector<16xi1> -> vector<16xf32>
      %reduce_min3A_335 = vector.extract %reduce_min3A_334[15] : f32 from vector<16xf32>
      %eq3A_336 = vector.broadcast %reduce_min3A_335 : f32 to vector<16xf32>
      %eq3A_337 = arith.cmpf oeq, %select_n3A_327, %eq3A_336 : vector<16xf32>
      %jit3A_338 = arith.constant 2147483647 : i32
      %broadcast_in_dim3A_339 = vector.broadcast %jit3A_338 : i32 to vector<16xi32>
      %select_n3A_340 = arith.select %eq3A_337, %select_n3A_331, %broadcast_in_dim3A_339 : vector<16xi1>, vector<16xi32>
      %reduce_min3A_341 = arith.constant true
      %reduce_min3A_342 = vector.broadcast %reduce_min3A_341 : i1 to vector<16xi1>
      %reduce_min3A_343 = arith.constant -2147483648 : i32
      %reduce_min3A_344 = vector.broadcast %reduce_min3A_343 : i32 to vector<16xi32>
      %reduce_min3A_345 = arith.xori %select_n3A_340, %reduce_min3A_344 : vector<16xi32>
      %reduce_min3A_346 = tpu.scan <min>, %reduce_min3A_345 masked %reduce_min3A_342 : vector<16xi32>, vector<16xi1> -> vector<16xi32>
      %reduce_min3A_347 = arith.xori %reduce_min3A_346, %reduce_min3A_344 : vector<16xi32>
      %reduce_min3A_348 = vector.extract %reduce_min3A_347[15] : i32 from vector<16xi32>
      %jit3A_349 = arith.constant 16 : i32
      %div3A_350 = arith.divsi %reduce_min3A_348, %jit3A_349 : i32
      %sign3A_351 = arith.constant 0 : i32
      %sign3A_352 = arith.cmpi sgt, %reduce_min3A_348, %sign3A_351 : i32
      %sign3A_353 = arith.extui %sign3A_352 : i1 to i32
      %sign3A_354 = arith.constant 0 : i32
      %sign3A_355 = arith.cmpi slt, %reduce_min3A_348, %sign3A_354 : i32
      %sign3A_356 = arith.extui %sign3A_355 : i1 to i32
      %sign3A_357 = arith.subi %sign3A_353, %sign3A_356 : i32
      %sign3A_358 = arith.constant 0 : i32
      %sign3A_359 = arith.cmpi sgt, %jit3A_349, %sign3A_358 : i32
      %sign3A_360 = arith.extui %sign3A_359 : i1 to i32
      %sign3A_361 = arith.constant 0 : i32
      %sign3A_362 = arith.cmpi slt, %jit3A_349, %sign3A_361 : i32
      %sign3A_363 = arith.extui %sign3A_362 : i1 to i32
      %sign3A_364 = arith.subi %sign3A_360, %sign3A_363 : i32
      %ne3A_365 = arith.cmpi ne, %sign3A_357, %sign3A_364 : i32
      %rem3A_366 = arith.remsi %reduce_min3A_348, %jit3A_349 : i32
      %ne3A_367 = arith.constant 0 : i32
      %ne3A_368 = arith.cmpi ne, %rem3A_366, %ne3A_367 : i32
      %and3A_369 = arith.andi %ne3A_365, %ne3A_368 : i1
      %sub3A_370 = arith.constant 1 : i32
      %sub3A_371 = arith.subi %div3A_350, %sub3A_370 : i32
      %select_n3A_372 = arith.select %and3A_369, %sub3A_371, %div3A_350 : i32
      %mul3A_373 = arith.constant 16 : i32
      %mul3A_374 = arith.muli %select_n3A_372, %mul3A_373 : i32
      %multiple_of3A_375 = tpu.assume_multiple %mul3A_374, 16 : i32
      %sub3A_376 = arith.subi %reduce_min3A_348, %multiple_of3A_375 : i32
      %eq3A_377 = vector.broadcast %sub3A_376 : i32 to vector<16xi32>
      %eq3A_378 = arith.cmpi eq, %iota3A, %eq3A_377 : vector<16xi32>
      %get3A_379 = arith.index_cast %multiple_of3A_375 : i32 to index
      %get3A_380 = tpu.vector_load %arg8[%get3A_379] {strides = array<i32>} : memref<128xf32, #tpu.memory_space<vmem>>, vector<16xf32>,
      %jit3A_381 = arith.constant 0.000000e+00 : f32
      %broadcast_in_dim3A_382 = vector.broadcast %jit3A_381 : f32 to vector<16xf32>
      %select_n3A_383 = arith.select %eq3A_378, %get3A_380, %broadcast_in_dim3A_382 : vector<16xi1>, vector<16xf32>
      %reduce_sum3A_384 = arith.constant true
      %reduce_sum3A_385 = vector.broadcast %reduce_sum3A_384 : i1 to vector<16xi1>
      %reduce_sum3A_386 = tpu.scan <sum>, %select_n3A_383 masked %reduce_sum3A_385 : vector<16xf32>, vector<16xi1> -> vector<16xf32>
      %reduce_sum3A_387 = vector.extract %reduce_sum3A_386[15] : f32 from vector<16xf32>
      %add3A_388 = arith.constant 32 : i32
      %add3A_389 = arith.addi %add3A_388, %multiple_of3A_375 : i32
      %get3A_390 = arith.index_cast %add3A_389 : i32 to index
      %get3A_391 = tpu.vector_load %arg8[%get3A_390] {strides = array<i32>} : memref<128xf32, #tpu.memory_space<vmem>>, vector<16xf32>,
      %jit3A_392 = arith.constant 0.000000e+00 : f32
      %broadcast_in_dim3A_393 = vector.broadcast %jit3A_392 : f32 to vector<16xf32>
      %select_n3A_394 = arith.select %eq3A_378, %get3A_391, %broadcast_in_dim3A_393 : vector<16xi1>, vector<16xf32>
      %reduce_sum3A_395 = arith.constant true
      %reduce_sum3A_396 = vector.broadcast %reduce_sum3A_395 : i1 to vector<16xi1>
      %reduce_sum3A_397 = tpu.scan <sum>, %select_n3A_394 masked %reduce_sum3A_396 : vector<16xf32>, vector<16xi1> -> vector<16xf32>
      %reduce_sum3A_398 = vector.extract %reduce_sum3A_397[15] : f32 from vector<16xf32>
      %add3A_399 = arith.constant 64 : i32
      %add3A_400 = arith.addi %add3A_399, %multiple_of3A_375 : i32
      %get3A_401 = arith.index_cast %add3A_400 : i32 to index
      %get3A_402 = tpu.vector_load %arg8[%get3A_401] {strides = array<i32>} : memref<128xf32, #tpu.memory_space<vmem>>, vector<16xf32>,
      %jit3A_403 = arith.constant 0.000000e+00 : f32
      %broadcast_in_dim3A_404 = vector.broadcast %jit3A_403 : f32 to vector<16xf32>
      %select_n3A_405 = arith.select %eq3A_378, %get3A_402, %broadcast_in_dim3A_404 : vector<16xi1>, vector<16xf32>
      %reduce_sum3A_406 = arith.constant true
      %reduce_sum3A_407 = vector.broadcast %reduce_sum3A_406 : i1 to vector<16xi1>
      %reduce_sum3A_408 = tpu.scan <sum>, %select_n3A_405 masked %reduce_sum3A_407 : vector<16xf32>, vector<16xi1> -> vector<16xf32>
      %reduce_sum3A_409 = vector.extract %reduce_sum3A_408[15] : f32 from vector<16xf32>
      %add3A_410 = arith.constant 96 : i32
      %add3A_411 = arith.addi %add3A_410, %multiple_of3A_375 : i32
      %get3A_412 = arith.index_cast %add3A_411 : i32 to index
      %get3A_413 = tpu.vector_load %arg8[%get3A_412] {strides = array<i32>} : memref<128xf32, #tpu.memory_space<vmem>>, vector<16xf32>,
      %jit3A_414 = arith.constant 0.000000e+00 : f32
      %broadcast_in_dim3A_415 = vector.broadcast %jit3A_414 : f32 to vector<16xf32>
      %select_n3A_416 = arith.select %eq3A_378, %get3A_413, %broadcast_in_dim3A_415 : vector<16xi1>, vector<16xf32>
      %reduce_sum3A_417 = arith.constant true
      %reduce_sum3A_418 = vector.broadcast %reduce_sum3A_417 : i1 to vector<16xi1>
      %reduce_sum3A_419 = tpu.scan <sum>, %select_n3A_416 masked %reduce_sum3A_418 : vector<16xf32>, vector<16xi1> -> vector<16xf32>
      %reduce_sum3A_420 = vector.extract %reduce_sum3A_419[15] : f32 from vector<16xf32>
      %broadcast_in_dim3A_421 = arith.constant 0.000000e+00 : f32
      %broadcast_in_dim3A_422 = vector.broadcast %broadcast_in_dim3A_421 : f32 to vector<16xf32>
      %add3A_423 = vector.broadcast %reduce_min3A_335 : f32 to vector<16xf32>
      %add3A_424 = arith.addf %add3A_423, %broadcast_in_dim3A_422 : vector<16xf32>
      %add3A_425 = vector.broadcast %reduce_min3A_225 : f32 to vector<16xf32>
      %add3A_426 = arith.addf %add3A_425, %broadcast_in_dim3A_422 : vector<16xf32>
      %lt3A_427 = arith.cmpf olt, %add3A_424, %add3A_426 : vector<16xf32>
      %add3A_428 = vector.broadcast %reduce_sum3A_387 : f32 to vector<16xf32>
      %add3A_429 = arith.addf %add3A_428, %broadcast_in_dim3A_422 : vector<16xf32>
      %add3A_430 = vector.broadcast %reduce_sum3A_254 : f32 to vector<16xf32>
      %add3A_431 = arith.addf %add3A_430, %broadcast_in_dim3A_422 : vector<16xf32>
      %select_n3A_432 = arith.select %lt3A_427, %add3A_429, %add3A_431 : vector<16xi1>, vector<16xf32>
      %add3A_433 = vector.broadcast %reduce_sum3A_398 : f32 to vector<16xf32>
      %add3A_434 = arith.addf %add3A_433, %broadcast_in_dim3A_422 : vector<16xf32>
      %add3A_435 = vector.broadcast %reduce_sum3A_268 : f32 to vector<16xf32>
      %add3A_436 = arith.addf %add3A_435, %broadcast_in_dim3A_422 : vector<16xf32>
      %select_n3A_437 = arith.select %lt3A_427, %add3A_434, %add3A_436 : vector<16xi1>, vector<16xf32>
      %add3A_438 = vector.broadcast %reduce_sum3A_409 : f32 to vector<16xf32>
      %add3A_439 = arith.addf %add3A_438, %broadcast_in_dim3A_422 : vector<16xf32>
      %add3A_440 = vector.broadcast %reduce_sum3A_282 : f32 to vector<16xf32>
      %add3A_441 = arith.addf %add3A_440, %broadcast_in_dim3A_422 : vector<16xf32>
      %select_n3A_442 = arith.select %lt3A_427, %add3A_439, %add3A_441 : vector<16xi1>, vector<16xf32>
      %add3A_443 = vector.broadcast %reduce_sum3A_420 : f32 to vector<16xf32>
      %add3A_444 = arith.addf %add3A_443, %broadcast_in_dim3A_422 : vector<16xf32>
      %add3A_445 = vector.broadcast %reduce_sum3A_296 : f32 to vector<16xf32>
      %add3A_446 = arith.addf %add3A_445, %broadcast_in_dim3A_422 : vector<16xf32>
      %select_n3A_447 = arith.select %lt3A_427, %add3A_444, %add3A_446 : vector<16xi1>, vector<16xf32>
      %eq3A_448 = arith.constant 2 : i32
      %eq3A_449 = vector.broadcast %eq3A_448 : i32 to vector<16xi32>
      %eq3A_450 = arith.cmpi eq, %iota3A, %eq3A_449 : vector<16xi32>
      %jit3A_451 = arith.constant 0.000000e+00 : f32
      %broadcast_in_dim3A_452 = vector.broadcast %jit3A_451 : f32 to vector<16xf32>
      %select_n3A_453 = arith.select %eq3A_450, %get3A_41, %broadcast_in_dim3A_452 : vector<16xi1>, vector<16xf32>
      %reduce_sum3A_454 = arith.constant true
      %reduce_sum3A_455 = vector.broadcast %reduce_sum3A_454 : i1 to vector<16xi1>
      %reduce_sum3A_456 = tpu.scan <sum>, %select_n3A_453 masked %reduce_sum3A_455 : vector<16xf32>, vector<16xi1> -> vector<16xf32>
      %reduce_sum3A_457 = vector.extract %reduce_sum3A_456[15] : f32 from vector<16xf32>
      %add3A_458 = vector.broadcast %reduce_sum3A_457 : f32 to vector<16xf32>
      %add3A_459 = arith.addf %add3A_458, %broadcast_in_dim3A_422 : vector<16xf32>
      %eq3A_460 = arith.constant 3 : i32
      %eq3A_461 = vector.broadcast %eq3A_460 : i32 to vector<16xi32>
      %eq3A_462 = arith.cmpi eq, %iota3A, %eq3A_461 : vector<16xi32>
      %jit3A_463 = arith.constant 0.000000e+00 : f32
      %broadcast_in_dim3A_464 = vector.broadcast %jit3A_463 : f32 to vector<16xf32>
      %select_n3A_465 = arith.select %eq3A_462, %get3A_41, %broadcast_in_dim3A_464 : vector<16xi1>, vector<16xf32>
      %reduce_sum3A_466 = arith.constant true
      %reduce_sum3A_467 = vector.broadcast %reduce_sum3A_466 : i1 to vector<16xi1>
      %reduce_sum3A_468 = tpu.scan <sum>, %select_n3A_465 masked %reduce_sum3A_467 : vector<16xf32>, vector<16xi1> -> vector<16xf32>
      %reduce_sum3A_469 = vector.extract %reduce_sum3A_468[15] : f32 from vector<16xf32>
      %add3A_470 = vector.broadcast %reduce_sum3A_469 : f32 to vector<16xf32>
      %add3A_471 = arith.addf %add3A_470, %broadcast_in_dim3A_422 : vector<16xf32>
      %eq3A_472 = arith.constant 4 : i32
      %eq3A_473 = vector.broadcast %eq3A_472 : i32 to vector<16xi32>
      %eq3A_474 = arith.cmpi eq, %iota3A, %eq3A_473 : vector<16xi32>
      %jit3A_475 = arith.constant 0.000000e+00 : f32
      %broadcast_in_dim3A_476 = vector.broadcast %jit3A_475 : f32 to vector<16xf32>
      %select_n3A_477 = arith.select %eq3A_474, %get3A_41, %broadcast_in_dim3A_476 : vector<16xi1>, vector<16xf32>
      %reduce_sum3A_478 = arith.constant true
      %reduce_sum3A_479 = vector.broadcast %reduce_sum3A_478 : i1 to vector<16xi1>
      %reduce_sum3A_480 = tpu.scan <sum>, %select_n3A_477 masked %reduce_sum3A_479 : vector<16xf32>, vector<16xi1> -> vector<16xf32>
      %reduce_sum3A_481 = vector.extract %reduce_sum3A_480[15] : f32 from vector<16xf32>
      %add3A_482 = vector.broadcast %reduce_sum3A_481 : f32 to vector<16xf32>
      %add3A_483 = arith.addf %add3A_482, %broadcast_in_dim3A_422 : vector<16xf32>
      %add3A_484 = arith.constant 3.14159274 : f32
      %add3A_485 = vector.broadcast %add3A_484 : f32 to vector<16xf32>
      %add3A_486 = arith.addf %add3A_483, %add3A_485 : vector<16xf32>
      %mul3A_487 = arith.constant 2.000000e+00 : f32
      %mul3A_488 = arith.constant 3.14159274 : f32
      %mul3A_489 = arith.mulf %mul3A_487, %mul3A_488 : f32
      %rem3A_490 = vector.broadcast %mul3A_489 : f32 to vector<16xf32>
      %rem3A_491 = arith.remf %add3A_486, %rem3A_490 : vector<16xf32>
      %ne3A_492 = arith.constant 0.000000e+00 : f32
      %ne3A_493 = vector.broadcast %ne3A_492 : f32 to vector<16xf32>
      %ne3A_494 = arith.cmpf one, %rem3A_491, %ne3A_493 : vector<16xf32>
      %lt3A_495 = arith.constant 0.000000e+00 : f32
      %lt3A_496 = vector.broadcast %lt3A_495 : f32 to vector<16xf32>
      %lt3A_497 = arith.cmpf olt, %rem3A_491, %lt3A_496 : vector<16xf32>
      %lt3A_498 = arith.constant 0.000000e+00 : f32
      %lt3A_499 = arith.cmpf olt, %mul3A_489, %lt3A_498 : f32
      %ne3A_500 = vector.broadcast %lt3A_499 : i1 to vector<16xi1>
      %ne3A_501 = vector.broadcast %ne3A_500 : vector<16xi1> to vector<16xi1>
      %ne3A_502 = arith.xori %lt3A_497, %ne3A_501 : vector<16xi1>
      %and3A_503 = arith.andi %ne3A_502, %ne3A_494 : vector<16xi1>
      %add3A_504 = vector.broadcast %mul3A_489 : f32 to vector<16xf32>
      %add3A_505 = arith.addf %rem3A_491, %add3A_504 : vector<16xf32>
      %select_n3A_506 = arith.select %and3A_503, %add3A_505, %rem3A_491 : vector<16xi1>, vector<16xf32>
      %div3A_507 = arith.constant 3.14159274 : f32
      %div3A_508 = arith.constant 2.000000e+00 : f32
      %div3A_509 = arith.divf %div3A_507, %div3A_508 : f32
      %add3A_510 = vector.broadcast %div3A_509 : f32 to vector<16xf32>
      %add3A_511 = arith.addf %select_n3A_506, %add3A_510 : vector<16xf32>
      %mul3A_512 = arith.constant 0.636619746 : f32
      %mul3A_513 = vector.broadcast %mul3A_512 : f32 to vector<16xf32>
      %mul3A_514 = arith.mulf %add3A_511, %mul3A_513 : vector<16xf32>
      %sign3A_515 = tpu.bitcast %mul3A_514 : vector<16xf32> -> vector<16xi32>
      %sign3A_516 = arith.constant -2147483648 : i32
      %sign3A_517 = vector.broadcast %sign3A_516 : i32 to vector<16xi32>
      %sign3A_518 = arith.andi %sign3A_515, %sign3A_517 : vector<16xi32>
      %sign3A_519 = arith.constant 1065353216 : i32
      %sign3A_520 = vector.broadcast %sign3A_519 : i32 to vector<16xi32>
      %sign3A_521 = arith.ori %sign3A_520, %sign3A_518 : vector<16xi32>
      %sign3A_522 = tpu.bitcast %sign3A_521 : vector<16xi32> -> vector<16xf32>
      %sign3A_523 = math.absf %mul3A_514 : vector<16xf32>
      %sign3A_524 = arith.constant 0.000000e+00 : f32
      %sign3A_525 = vector.broadcast %sign3A_524 : f32 to vector<16xf32>
      %sign3A_526 = arith.cmpf ogt, %sign3A_523, %sign3A_525 : vector<16xf32>
      %sign3A_527 = arith.select %sign3A_526, %sign3A_522, %mul3A_514 : vector<16xi1>, vector<16xf32>
      %mul3A_528 = arith.constant 5.000000e-01 : f32
      %mul3A_529 = vector.broadcast %mul3A_528 : f32 to vector<16xf32>
      %mul3A_530 = arith.mulf %mul3A_529, %sign3A_527 : vector<16xf32>
      %add3A_531 = arith.addf %mul3A_514, %mul3A_530 : vector<16xf32>
      %convert_element_type3A_532 = arith.fptosi %add3A_531 : vector<16xf32> to vector<16xi32>
      %convert_element_type3A_533 = arith.sitofp %convert_element_type3A_532 : vector<16xi32> to vector<16xf32>
      %mul3A_534 = arith.constant 1.57079625 : f32
      %mul3A_535 = vector.broadcast %mul3A_534 : f32 to vector<16xf32>
      %mul3A_536 = arith.mulf %convert_element_type3A_533, %mul3A_535 : vector<16xf32>
      %sub3A_537 = arith.subf %add3A_511, %mul3A_536 : vector<16xf32>
      %mul3A_538 = arith.constant 7.54978942E-8 : f32
      %mul3A_539 = vector.broadcast %mul3A_538 : f32 to vector<16xf32>
      %mul3A_540 = arith.mulf %convert_element_type3A_533, %mul3A_539 : vector<16xf32>
      %sub3A_541 = arith.subf %sub3A_537, %mul3A_540 : vector<16xf32>
      %and3A_542 = arith.constant 3 : i32
      %and3A_543 = vector.broadcast %and3A_542 : i32 to vector<16xi32>
      %and3A_544 = arith.andi %convert_element_type3A_532, %and3A_543 : vector<16xi32>
      %mul3A_545 = arith.mulf %sub3A_541, %sub3A_541 : vector<16xf32>
      %mul3A_546 = arith.mulf %sub3A_541, %mul3A_545 : vector<16xf32>
      %mul3A_547 = arith.constant -1.95152956E-4 : f32
      %mul3A_548 = vector.broadcast %mul3A_547 : f32 to vector<16xf32>
      %mul3A_549 = arith.mulf %mul3A_545, %mul3A_548 : vector<16xf32>
      %add3A_550 = arith.constant 0.00833216123 : f32
      %add3A_551 = vector.broadcast %add3A_550 : f32 to vector<16xf32>
      %add3A_552 = arith.addf %add3A_551, %mul3A_549 : vector<16xf32>
      %mul3A_553 = arith.mulf %mul3A_545, %add3A_552 : vector<16xf32>
      %add3A_554 = arith.constant -0.166666552 : f32
      %add3A_555 = vector.broadcast %add3A_554 : f32 to vector<16xf32>
      %add3A_556 = arith.addf %add3A_555, %mul3A_553 : vector<16xf32>
      %mul3A_557 = arith.mulf %mul3A_546, %add3A_556 : vector<16xf32>
      %add3A_558 = arith.addf %sub3A_541, %mul3A_557 : vector<16xf32>
      %mul3A_559 = arith.constant 2.44331568E-5 : f32
      %mul3A_560 = vector.broadcast %mul3A_559 : f32 to vector<16xf32>
      %mul3A_561 = arith.mulf %mul3A_545, %mul3A_560 : vector<16xf32>
      %add3A_562 = arith.constant -0.00138873165 : f32
      %add3A_563 = vector.broadcast %add3A_562 : f32 to vector<16xf32>
      %add3A_564 = arith.addf %add3A_563, %mul3A_561 : vector<16xf32>
      %mul3A_565 = arith.mulf %mul3A_545, %add3A_564 : vector<16xf32>
      %add3A_566 = arith.constant 0.0416666456 : f32
      %add3A_567 = vector.broadcast %add3A_566 : f32 to vector<16xf32>
      %add3A_568 = arith.addf %add3A_567, %mul3A_565 : vector<16xf32>
      %mul3A_569 = arith.mulf %mul3A_545, %add3A_568 : vector<16xf32>
      %add3A_570 = arith.constant -5.000000e-01 : f32
      %add3A_571 = vector.broadcast %add3A_570 : f32 to vector<16xf32>
      %add3A_572 = arith.addf %add3A_571, %mul3A_569 : vector<16xf32>
      %mul3A_573 = arith.mulf %mul3A_545, %add3A_572 : vector<16xf32>
      %add3A_574 = arith.constant 1.000000e+00 : f32
      %add3A_575 = vector.broadcast %add3A_574 : f32 to vector<16xf32>
      %add3A_576 = arith.addf %add3A_575, %mul3A_573 : vector<16xf32>
      %eq3A_577 = arith.constant 0 : i32
      %eq3A_578 = vector.broadcast %eq3A_577 : i32 to vector<16xi32>
      %eq3A_579 = arith.cmpi eq, %and3A_544, %eq3A_578 : vector<16xi32>
      %eq3A_580 = arith.constant 1 : i32
      %eq3A_581 = vector.broadcast %eq3A_580 : i32 to vector<16xi32>
      %eq3A_582 = arith.cmpi eq, %and3A_544, %eq3A_581 : vector<16xi32>
      %eq3A_583 = arith.constant 2 : i32
      %eq3A_584 = vector.broadcast %eq3A_583 : i32 to vector<16xi32>
      %eq3A_585 = arith.cmpi eq, %and3A_544, %eq3A_584 : vector<16xi32>
      %neg3A = arith.constant 0.000000e+00 : f32
      %neg3A_586 = vector.broadcast %neg3A : f32 to vector<16xf32>
      %neg3A_587 = arith.subf %neg3A_586, %add3A_558 : vector<16xf32>
      %neg3A_588 = arith.constant 0.000000e+00 : f32
      %neg3A_589 = vector.broadcast %neg3A_588 : f32 to vector<16xf32>
      %neg3A_590 = arith.subf %neg3A_589, %add3A_576 : vector<16xf32>
      %select_n3A_591 = arith.select %eq3A_585, %neg3A_587, %neg3A_590 : vector<16xi1>, vector<16xf32>
      %select_n3A_592 = arith.select %eq3A_582, %add3A_576, %select_n3A_591 : vector<16xi1>, vector<16xf32>
      %select_n3A_593 = arith.select %eq3A_579, %add3A_558, %select_n3A_592 : vector<16xi1>, vector<16xf32>
      %eq3A_594 = arith.constant 0 : i32
      %eq3A_595 = vector.broadcast %eq3A_594 : i32 to vector<16xi32>
      %eq3A_596 = arith.cmpi eq, %and3A_544, %eq3A_595 : vector<16xi32>
      %eq3A_597 = arith.constant 1 : i32
      %eq3A_598 = vector.broadcast %eq3A_597 : i32 to vector<16xi32>
      %eq3A_599 = arith.cmpi eq, %and3A_544, %eq3A_598 : vector<16xi32>
      %neg3A_600 = arith.constant 0.000000e+00 : f32
      %neg3A_601 = vector.broadcast %neg3A_600 : f32 to vector<16xf32>
      %neg3A_602 = arith.subf %neg3A_601, %add3A_558 : vector<16xf32>
      %eq3A_603 = arith.constant 2 : i32
      %eq3A_604 = vector.broadcast %eq3A_603 : i32 to vector<16xi32>
      %eq3A_605 = arith.cmpi eq, %and3A_544, %eq3A_604 : vector<16xi32>
      %neg3A_606 = arith.constant 0.000000e+00 : f32
      %neg3A_607 = vector.broadcast %neg3A_606 : f32 to vector<16xf32>
      %neg3A_608 = arith.subf %neg3A_607, %add3A_576 : vector<16xf32>
      %select_n3A_609 = arith.select %eq3A_605, %neg3A_608, %add3A_558 : vector<16xi1>, vector<16xf32>
      %select_n3A_610 = arith.select %eq3A_599, %neg3A_602, %select_n3A_609 : vector<16xi1>, vector<16xf32>
      %select_n3A_611 = arith.select %eq3A_596, %add3A_576, %select_n3A_610 : vector<16xi1>, vector<16xf32>
      %neg3A_612 = arith.constant 0.000000e+00 : f32
      %neg3A_613 = vector.broadcast %neg3A_612 : f32 to vector<16xf32>
      %neg3A_614 = arith.subf %neg3A_613, %select_n3A_611 : vector<16xf32>
      %neg3A_615 = arith.constant 0.000000e+00 : f32
      %neg3A_616 = vector.broadcast %neg3A_615 : f32 to vector<16xf32>
      %neg3A_617 = arith.subf %neg3A_616, %select_n3A_593 : vector<16xf32>
      %add3A_618 = vector.broadcast %reduce_sum3A_49 : f32 to vector<16xf32>
      %add3A_619 = arith.addf %add3A_618, %broadcast_in_dim3A_422 : vector<16xf32>
      %sub3A_620 = arith.subf %add3A_619, %select_n3A_432 : vector<16xf32>
      %mul3A_621 = arith.mulf %sub3A_620, %neg3A_614 : vector<16xf32>
      %add3A_622 = vector.broadcast %reduce_sum3A_59 : f32 to vector<16xf32>
      %add3A_623 = arith.addf %add3A_622, %broadcast_in_dim3A_422 : vector<16xf32>
      %sub3A_624 = arith.subf %add3A_623, %select_n3A_437 : vector<16xf32>
      %mul3A_625 = arith.mulf %sub3A_624, %neg3A_617 : vector<16xf32>
      %add3A_626 = arith.addf %mul3A_621, %mul3A_625 : vector<16xf32>
      %sub3A_627 = arith.subf %select_n3A_442, %select_n3A_506 : vector<16xf32>
      %add3A_628 = arith.constant 3.14159274 : f32
      %add3A_629 = vector.broadcast %add3A_628 : f32 to vector<16xf32>
      %add3A_630 = arith.addf %sub3A_627, %add3A_629 : vector<16xf32>
      %mul3A_631 = arith.constant 2.000000e+00 : f32
      %mul3A_632 = arith.constant 3.14159274 : f32
      %mul3A_633 = arith.mulf %mul3A_631, %mul3A_632 : f32
      %rem3A_634 = vector.broadcast %mul3A_633 : f32 to vector<16xf32>
      %rem3A_635 = arith.remf %add3A_630, %rem3A_634 : vector<16xf32>
      %ne3A_636 = arith.constant 0.000000e+00 : f32
      %ne3A_637 = vector.broadcast %ne3A_636 : f32 to vector<16xf32>
      %ne3A_638 = arith.cmpf one, %rem3A_635, %ne3A_637 : vector<16xf32>
      %lt3A_639 = arith.constant 0.000000e+00 : f32
      %lt3A_640 = vector.broadcast %lt3A_639 : f32 to vector<16xf32>
      %lt3A_641 = arith.cmpf olt, %rem3A_635, %lt3A_640 : vector<16xf32>
      %lt3A_642 = arith.constant 0.000000e+00 : f32
      %lt3A_643 = arith.cmpf olt, %mul3A_633, %lt3A_642 : f32
      %ne3A_644 = vector.broadcast %lt3A_643 : i1 to vector<16xi1>
      %ne3A_645 = vector.broadcast %ne3A_644 : vector<16xi1> to vector<16xi1>
      %ne3A_646 = arith.xori %lt3A_641, %ne3A_645 : vector<16xi1>
      %and3A_647 = arith.andi %ne3A_646, %ne3A_638 : vector<16xi1>
      %add3A_648 = vector.broadcast %mul3A_633 : f32 to vector<16xf32>
      %add3A_649 = arith.addf %rem3A_635, %add3A_648 : vector<16xf32>
      %select_n3A_650 = arith.select %and3A_647, %add3A_649, %rem3A_635 : vector<16xi1>, vector<16xf32>
      %sub3A_651 = arith.constant 3.14159274 : f32
      %sub3A_652 = vector.broadcast %sub3A_651 : f32 to vector<16xf32>
      %sub3A_653 = arith.subf %select_n3A_650, %sub3A_652 : vector<16xf32>
      %mul3A_654 = arith.constant 0.899999976 : f32
      %mul3A_655 = vector.broadcast %mul3A_654 : f32 to vector<16xf32>
      %mul3A_656 = arith.mulf %select_n3A_447, %mul3A_655 : vector<16xf32>
      %mul3A_657 = arith.mulf %add3A_471, %sub3A_653 : vector<16xf32>
      %neg3A_658 = arith.constant 0.000000e+00 : f32
      %neg3A_659 = vector.broadcast %neg3A_658 : f32 to vector<16xf32>
      %neg3A_660 = arith.subf %neg3A_659, %add3A_626 : vector<16xf32>
      %mul3A_661 = arith.mulf %add3A_459, %neg3A_660 : vector<16xf32>
      %add3A_662 = arith.constant 9.99999974E-6 : f32
      %add3A_663 = vector.broadcast %add3A_662 : f32 to vector<16xf32>
      %add3A_664 = arith.addf %mul3A_656, %add3A_663 : vector<16xf32>
      %div3A_665 = arith.divf %mul3A_661, %add3A_664 : vector<16xf32>
      %abs3A = math.absf %div3A_665 : vector<16xf32>
      %gt3A = arith.constant 1.000000e+00 : f32
      %gt3A_666 = vector.broadcast %gt3A : f32 to vector<16xf32>
      %gt3A_667 = arith.cmpf ogt, %abs3A, %gt3A_666 : vector<16xf32>
      %max3A = arith.constant 1.000000e-30 : f32
      %max3A_668 = vector.broadcast %max3A : f32 to vector<16xf32>
      %max3A_669 = arith.maximumf %abs3A, %max3A_668 : vector<16xf32>
      %div3A_670 = arith.constant 1.000000e+00 : f32
      %div3A_671 = vector.broadcast %div3A_670 : f32 to vector<16xf32>
      %div3A_672 = arith.divf %div3A_671, %max3A_669 : vector<16xf32>
      %select_n3A_673 = arith.select %gt3A_667, %div3A_672, %abs3A : vector<16xi1>, vector<16xf32>
      %gt3A_674 = arith.constant 0.414213568 : f32
      %gt3A_675 = vector.broadcast %gt3A_674 : f32 to vector<16xf32>
      %gt3A_676 = arith.cmpf ogt, %select_n3A_673, %gt3A_675 : vector<16xf32>
      %sub3A_677 = arith.constant 1.000000e+00 : f32
      %sub3A_678 = vector.broadcast %sub3A_677 : f32 to vector<16xf32>
      %sub3A_679 = arith.subf %select_n3A_673, %sub3A_678 : vector<16xf32>
      %add3A_680 = arith.constant 1.000000e+00 : f32
      %add3A_681 = vector.broadcast %add3A_680 : f32 to vector<16xf32>
      %add3A_682 = arith.addf %select_n3A_673, %add3A_681 : vector<16xf32>
      %div3A_683 = arith.divf %sub3A_679, %add3A_682 : vector<16xf32>
      %select_n3A_684 = arith.select %gt3A_676, %div3A_683, %select_n3A_673 : vector<16xi1>, vector<16xf32>
      %mul3A_685 = arith.mulf %select_n3A_684, %select_n3A_684 : vector<16xf32>
      %mul3A_686 = arith.constant 0.0805374458 : f32
      %mul3A_687 = vector.broadcast %mul3A_686 : f32 to vector<16xf32>
      %mul3A_688 = arith.mulf %mul3A_687, %mul3A_685 : vector<16xf32>
      %sub3A_689 = arith.constant 0.138776854 : f32
      %sub3A_690 = vector.broadcast %sub3A_689 : f32 to vector<16xf32>
      %sub3A_691 = arith.subf %mul3A_688, %sub3A_690 : vector<16xf32>
      %mul3A_692 = arith.mulf %sub3A_691, %mul3A_685 : vector<16xf32>
      %add3A_693 = arith.constant 0.199777111 : f32
      %add3A_694 = vector.broadcast %add3A_693 : f32 to vector<16xf32>
      %add3A_695 = arith.addf %mul3A_692, %add3A_694 : vector<16xf32>
      %mul3A_696 = arith.mulf %add3A_695, %mul3A_685 : vector<16xf32>
      %sub3A_697 = arith.constant 0.333329499 : f32
      %sub3A_698 = vector.broadcast %sub3A_697 : f32 to vector<16xf32>
      %sub3A_699 = arith.subf %mul3A_696, %sub3A_698 : vector<16xf32>
      %mul3A_700 = arith.mulf %select_n3A_684, %mul3A_685 : vector<16xf32>
      %mul3A_701 = arith.mulf %mul3A_700, %sub3A_699 : vector<16xf32>
      %add3A_702 = arith.addf %select_n3A_684, %mul3A_701 : vector<16xf32>
      %add3A_703 = arith.constant 0.785398185 : f32
      %add3A_704 = vector.broadcast %add3A_703 : f32 to vector<16xf32>
      %add3A_705 = arith.addf %add3A_704, %add3A_702 : vector<16xf32>
      %select_n3A_706 = arith.select %gt3A_676, %add3A_705, %add3A_702 : vector<16xi1>, vector<16xf32>
      %sub3A_707 = arith.constant 1.57079637 : f32
      %sub3A_708 = vector.broadcast %sub3A_707 : f32 to vector<16xf32>
      %sub3A_709 = arith.subf %sub3A_708, %select_n3A_706 : vector<16xf32>
      %select_n3A_710 = arith.select %gt3A_667, %sub3A_709, %select_n3A_706 : vector<16xi1>, vector<16xf32>
      %lt3A_711 = arith.constant 0.000000e+00 : f32
      %lt3A_712 = vector.broadcast %lt3A_711 : f32 to vector<16xf32>
      %lt3A_713 = arith.cmpf olt, %div3A_665, %lt3A_712 : vector<16xf32>
      %neg3A_714 = arith.constant 0.000000e+00 : f32
      %neg3A_715 = vector.broadcast %neg3A_714 : f32 to vector<16xf32>
      %neg3A_716 = arith.subf %neg3A_715, %select_n3A_710 : vector<16xf32>
      %select_n3A_717 = arith.select %lt3A_713, %neg3A_716, %select_n3A_710 : vector<16xi1>, vector<16xf32>
      %add3A_718 = arith.addf %mul3A_657, %select_n3A_717 : vector<16xf32>
      %eq3A_719 = arith.constant 0 : i32
      %eq3A_720 = vector.broadcast %eq3A_719 : i32 to vector<16xi32>
      %eq3A_721 = arith.cmpi eq, %iota3A, %eq3A_720 : vector<16xi32>
      %eq3A_722 = arith.constant 1 : i32
      %eq3A_723 = vector.broadcast %eq3A_722 : i32 to vector<16xi32>
      %eq3A_724 = arith.cmpi eq, %iota3A, %eq3A_723 : vector<16xi32>
      %eq3A_725 = arith.constant 2 : i32
      %eq3A_726 = vector.broadcast %eq3A_725 : i32 to vector<16xi32>
      %eq3A_727 = arith.cmpi eq, %iota3A, %eq3A_726 : vector<16xi32>
      %eq3A_728 = arith.constant 3 : i32
      %eq3A_729 = vector.broadcast %eq3A_728 : i32 to vector<16xi32>
      %eq3A_730 = arith.cmpi eq, %iota3A, %eq3A_729 : vector<16xi32>
      %select_n3A_731 = arith.select %eq3A_730, %sub3A_653, %broadcast_in_dim3A_422 : vector<16xi1>, vector<16xf32>
      %select_n3A_732 = arith.select %eq3A_727, %add3A_626, %select_n3A_731 : vector<16xi1>, vector<16xf32>
      %select_n3A_733 = arith.select %eq3A_724, %mul3A_656, %select_n3A_732 : vector<16xi1>, vector<16xf32>
      %select_n3A_734 = arith.select %eq3A_721, %add3A_718, %select_n3A_733 : vector<16xi1>, vector<16xf32>
      %swap3A_735 = arith.constant 0 : index
      %swap3A_736 = tpu.vector_load %arg10[%swap3A_735] {strides = array<i32>} : memref<16xf32, #tpu.memory_space<vmem>>, vector<16xf32>,
      tpu.vector_store %arg10[%swap3A_735], %select_n3A_734 {strides = array<i32>} : memref<16xf32, #tpu.memory_space<vmem>>, vector<16xf32>,
      %run_scoped3A = arith.constant 0 : i32
      "tpu.region"() ({
        %run_scoped3A_737 = tpu.sem_alloc : memref<!tpu.dma_semaphore, #tpu.memory_space<semaphore_mem>>
        %dma_start3A_738 = arith.constant 0 : i32
        %dma_start3A_739 = tpu.memref_slice %arg5[%run_scoped3A, %dma_start3A_738] : memref<1x16xf32, #tpu.memory_space<hbm>> -> memref<1x16xf32, #tpu.memory_space<hbm>>
        %dma_start3A_740 = tpu.memref_squeeze %dma_start3A_739 : memref<1x16xf32, #tpu.memory_space<hbm>> -> memref<16xf32, #tpu.memory_space<hbm>>
        %dma_start3A_741 = arith.constant 0 : i32
        %dma_start3A_742 = tpu.memref_slice %arg5[%run_scoped3A, %dma_start3A_741] : memref<1x16xf32, #tpu.memory_space<hbm>> -> memref<1x16xf32, #tpu.memory_space<hbm>>
        %dma_start3A_743 = tpu.memref_squeeze %dma_start3A_742 : memref<1x16xf32, #tpu.memory_space<hbm>> -> memref<16xf32, #tpu.memory_space<hbm>>
        tpu.enqueue_dma source(%arg10 : memref<16xf32, #tpu.memory_space<vmem>>) target(%dma_start3A_743 : memref<16xf32, #tpu.memory_space<hbm>>) target_semaphore(%run_scoped3A_737 : memref<!tpu.dma_semaphore, #tpu.memory_space<semaphore_mem>>)
        %dma_wait3A_744 = arith.constant 0 : i32
        %dma_wait3A_745 = tpu.memref_slice %arg5[%run_scoped3A, %dma_wait3A_744] : memref<1x16xf32, #tpu.memory_space<hbm>> -> memref<1x16xf32, #tpu.memory_space<hbm>>
        %dma_wait3A_746 = tpu.memref_squeeze %dma_wait3A_745 : memref<1x16xf32, #tpu.memory_space<hbm>> -> memref<16xf32, #tpu.memory_space<hbm>>
        %dma_wait3A_747 = arith.constant 0 : i32
        %dma_wait3A_748 = tpu.memref_slice %arg5[%run_scoped3A, %dma_wait3A_747] : memref<1x16xf32, #tpu.memory_space<hbm>> -> memref<1x16xf32, #tpu.memory_space<hbm>>
        %dma_wait3A_749 = tpu.memref_squeeze %dma_wait3A_748 : memref<1x16xf32, #tpu.memory_space<hbm>> -> memref<16xf32, #tpu.memory_space<hbm>>
        tpu.wait_dma2 semaphore(%run_scoped3A_737 : memref<!tpu.dma_semaphore, #tpu.memory_space<semaphore_mem>>) src(%arg10 : memref<16xf32, #tpu.memory_space<vmem>>) dst(%dma_wait3A_749 : memref<16xf32, #tpu.memory_space<hbm>>)
        tpu.yield
      }) : () -> ()
    } else {
    }
    return
  }
}

</mosaic_0001>

<sc_bundles>
// kernel: kernel.3.cloned.1.call-start
scs
__scs_entry_jumppad:
0x0: {  	(pc) =	sbr.rel $0x88, $3  }
0x1: {  	(tag) =	ssettag $0x0;
	lr =	simm.s32 $0x1  }
0x2: {  	[smem:$0x3F9D] =	sst lr;
	_ =	strace $0xD0000000  }
0x3: {  	_ = 	snop  }
0x4: {  	_ = 	snop  }
0x5: {  	_ = 	snop  }
0x6: {  	_ = 	snop  }
0x7: {  	_ = 	snop  }
__scs_overlays_trampoline_lowered:
0x8: {  	[smem:$0x3FAC] =	sst s0  }
0x9: {  	[smem:$0x3FAD] =	sst s1  }
0xa: {  	[smem:$0x3FAE] =	sst s2  }
0xb: {  	[smem:$0x3FAF] =	sst s3  }
0xc: {  	[smem:$0x3FB0] =	sst s4  }
0xd: {  	[smem:$0x3FB1] =	sst s5  }
0xe: {  	[smem:$0x3FB2] =	sst s6  }
0xf: {  	[smem:$0x3FB3] =	sst s7  }
0x10: {  	[smem:$0x3FB4] =	sst s8  }
0x11: {  	[smem:$0x3FB5] =	sst s9;
	s0 =	simm.s32 @!p0 $0x0  }
0x12: {  	s1 =	sld [smem:$0x3F9B];
	s0 =	simm.s32 @p0 $0x1  }
0x13: {  	[smem:$0x3FB6] =	sst s0;
	s0 =	simm.s32 @!p1 $0x0  }
0x14: {  	s2 =	sld [smem:$0x3F9A];
	s0 =	simm.s32 @p1 $0x1  }
0x15: {  	[smem:$0x3FB7] =	sst s0;
	s0 =	simm.s32 @!p2 $0x0  }
0x16: {  	s3 =	sld [smem:$0x3FDB];
	s0 =	simm.s32 @p2 $0x1  }
0x17: {  	s4 =	simm.s32 $0x1BF5;
	[smem:$0x3FB9] =	sst s0  }
0x18: {  	s0 =	sld [smem:$0x3F9C];
	_ =	swait.ge [sflag:s4], $0x0  }
0x19: {  	s7 =	sld [smem:$0x3F9D]  }
0x1a: {  	s8 =	sadd.s32 $0xFFFFE003, lr  }
0x1b: {  	s9 =	sadd.s32 $0xFFFFFEF7, lr;
	s5 =	simm.s32 $0xFFFFFFFF;
	p2 =	slt.u32 s8, $0xFFFFF086  }
0x1c: {  	p1 =	slt.u32 s9, $0xF7A;
	s5 =	simm.s32 @!p2 $0x0  }
0x1d: {  	s5 =	simm.s32 @p1 $0x1;
	p0 =	seq.s32 s7, s2  }
0x1e: {  	s7 =	smul.u32 @!p0 $0xF7A, s2;
	p2 =	seq.s32 @!p0 s5, $0x0  }
0x1f: {  	s9 =	smul.u32 $0xF7A, s1;
	s8 =	simm.s32 @!p0 $0x1BF5;
	p2 =	por !p2, p0  }
0x20: {  	[sflag:s8] =	ssyncset.s32 @!p0 $0xFFFFF086;
	s6 =	sadd.s32 @!p0 s3, s7;
	s7 =	simm.s32 @!p0 $0x108  }
0x21: {  	s3 =	sadd.s32 s3, s9;
	s6 =	sadd.s32 @!p0 $0x88, s6;
	s7 =	simm.s32 @p2 $0x1082  }
0x22: {  	[simem:s7], [sflag:s8] =	dma.local @!p0 [hbm:s6], $0xF7A  }
0x23: {  	s9 =	sor.u32 $0xD0000000, s2;
	s6 =	simm.s32 $0x108;
	_ =	swait.ge @!p0 [sflag:s8], $0x0  }
0x24: {  	s3 =	sadd.s32 $0x88, s3;
	s6 =	simm.s32 @!p1 $0x1082;
	[sflag:s4] =	ssyncset.s32 $0xFFFFF086  }
0x25: {  	[simem:s6], [sflag:s4] =	dma.local [hbm:s3], $0xF7A  }
0x26: {  	[smem:$0x3F9D] =	sst s1;
	(tag) =	ssettag s2;
	_ =	strace s9  }
0x27: {  	s1 =	sld [smem:$0x3FAD]  }
0x28: {  	s2 =	sld [smem:$0x3FAE]  }
0x29: {  	s4 =	sld [smem:$0x3FB0]  }
0x2a: {  	p0 =	seq.s32 s5, $0x0;
	s5 =	sld [smem:$0x3FB1]  }
0x2b: {  	s6 =	sld [smem:$0x3FB2]  }
0x2c: {  	s7 =	sld [smem:$0x3FB3]  }
0x2d: {  	s3 =	simm.s32 $0x108;
	s8 =	sld [smem:$0x3FB4]  }
0x2e: {  	s3 =	simm.s32 @!p0 $0x1082;
	s9 =	sld [smem:$0x3FB5]  }
0x2f: {  	lr =	sadd.s32 s0, s3;
	s0 =	sld [smem:$0x3FAC]  }
0x30: {  	s3 =	sld [smem:$0x3FAF]  }
0x31: {  	[smem:$0x3FB8] =	sst s10  }
0x32: {  	s10 =	sld [smem:$0x3FB6];
	_ =	sdelay $0x3  }
0x33: {  	p0 =	seq.s32 s10, $0x1;
	s10 =	sld [smem:$0x3FB8];
	_ =	sdelay $0x3  }
0x34: {  	[smem:$0x3FB8] =	sst s10  }
0x35: {  	s10 =	sld [smem:$0x3FB7];
	_ =	sdelay $0x3  }
0x36: {  	p1 =	seq.s32 s10, $0x1;
	s10 =	sld [smem:$0x3FB8];
	_ =	sdelay $0x3  }
0x37: {  	[smem:$0x3FB8] =	sst s10  }
0x38: {  	s10 =	sld [smem:$0x3FB9]  }
0x39: {  	_ = 	snop;
	(pc) =	sbr.ind lr, $3  }
0x3a: {  	_ = 	snop  }
0x3b: {  	_ = 	snop  }
0x3c: {  	p2 =	seq.s32 s10, $0x1;
	s10 =	sld [smem:$0x3FB8]  }
0x3d: {  	_ =	shalt  }
0x3e: {  	_ =	shalt  }
0x3f: {  	_ =	shalt  }
0x40: {  	_ =	shalt  }
0x41: {  	_ =	shalt  }
0x42: {  	_ =	shalt  }
0x43: {  	_ =	shalt  }
0x44: {  	_ =	shalt  }
0x45: {  	_ =	shalt  }
0x46: {  	_ =	shalt  }
0x47: {  	_ =	shalt  }
0x48: {  	_ =	shalt  }
0x49: {  	_ =	shalt  }
0x4a: {  	_ =	shalt  }
0x4b: {  	_ =	shalt  }
0x4c: {  	_ =	shalt  }
0x4d: {  	_ =	shalt  }
0x4e: {  	_ =	shalt  }
0x4f: {  	_ =	shalt  }
0x50: {  	_ =	shalt  }
0x51: {  	_ =	shalt  }
0x52: {  	_ =	shalt  }
0x53: {  	_ =	shalt  }
0x54: {  	_ =	shalt  }
0x55: {  	_ =	shalt  }
0x56: {  	_ =	shalt  }
0x57: {  	_ =	shalt  }
0x58: {  	_ =	shalt  }
0x59: {  	_ =	shalt  }
0x5a: {  	_ =	shalt  }
0x5b: {  	_ =	shalt  }
0x5c: {  	_ =	shalt  }
0x5d: {  	_ =	shalt  }
0x5e: {  	_ =	shalt  }
0x5f: {  	_ =	shalt  }
0x60: {  	_ =	shalt  }
0x61: {  	_ =	shalt  }
0x62: {  	_ =	shalt  }
0x63: {  	_ =	shalt  }
0x64: {  	_ =	shalt  }
0x65: {  	_ =	shalt  }
0x66: {  	_ =	shalt  }
0x67: {  	_ =	shalt  }
0x68: {  	_ =	shalt  }
0x69: {  	_ =	shalt  }
0x6a: {  	_ =	shalt  }
0x6b: {  	_ =	shalt  }
0x6c: {  	_ =	shalt  }
0x6d: {  	_ =	shalt  }
0x6e: {  	_ =	shalt  }
0x6f: {  	_ =	shalt  }
0x70: {  	_ =	shalt  }
0x71: {  	_ =	shalt  }
0x72: {  	_ =	shalt  }
0x73: {  	_ =	shalt  }
0x74: {  	_ =	shalt  }
0x75: {  	_ =	shalt  }
0x76: {  	_ =	shalt  }
0x77: {  	_ =	shalt  }
0x78: {  	_ =	shalt  }
0x79: {  	_ =	shalt  }
0x7a: {  	_ =	shalt  }
0x7b: {  	_ =	shalt  }
0x7c: {  	_ =	shalt  }
0x7d: {  	_ =	shalt  }
0x7e: {  	_ =	shalt  }
0x7f: {  	_ =	shalt  }
0x80: {  	_ =	shalt  }
0x81: {  	_ =	shalt  }
0x82: {  	_ =	shalt  }
0x83: {  	_ =	shalt  }
0x84: {  	_ =	shalt  }
0x85: {  	_ =	shalt  }
0x86: {  	_ =	shalt  }
0x87: {  	_ =	shalt  }
.Lfunc_end0:
.L_simem_size_0:
called_computation_lowered:
.L_overlay_start_0:
0x88: {  	s0 =	sld [smem:$0x3FD9]  }
0x89: {  	s1 =	sld [smem:$0x3FFE];
	_ =	sdelay $0x3  }
0x8a: {  	s0 =	sadd.s32 s1, s0  }
0x8b: {  	[smem:$0x3FC4] =	sst s0  }
0x8c: {  	_ = 	snop  }
0x8d: {  	s0 =	sld [smem:$0x3FD0];
	_ =	sdelay $0x2  }
0x8e: {  	s2 =	simm.s32 $0xA;
	s3 =	simm.s32 $0x10;
	s13 =	sld [smem:$0x3FC8]  }
0x8f: {  	[smem:s3], [sflag:s2] =	dma.local [hbm:s0], $0x1  }
0x90: {  	_ =	swait.eq [sflag:s2], $0x1  }
0x91: {  	[sflag:s2] =	ssyncset.done $0x0  }
0x92: {  	s14 =	sld [smem:$0x10];
	[sflag:s2] =	ssyncadd.s32 $0xFFFFFFFF  }
0x93: {  	s15 =	sld [smem:$0x12];
	(tm) =	ssettm $0x1  }
0x94: {  	s16 =	sld [smem:$0x3FFB];
	_ =	sdelay $0x3  }
0x95: {  	_ =	strace s16  }
0x96: {  	s3 =	sld [smem:$0x3FFC];
	_ =	sdelay $0x3  }
0x97: {  	_ =	strace s3  }
0x98: {  	s3 =	sld [smem:$0x3FFD];
	_ =	sdelay $0x3  }
0x99: {  	_ =	strace s3  }
0x9a: {  	_ =	strace $0x8FFFFFFF  }
0x9b: {  	s17 =	sld [smem:$0x3FDB];
	_ =	sdelay $0x1  }
0x9c: {  	s4 =	simm.s32 $_scs_section_size  }
0x9d: {  	s5 =	simm.s32 $_size__tile_overlayer_lowered;
	s6 =	simm.s32 $_tile_overlayer_lowered  }
0x9e: {  	s20 =	simm.s32 $0x1BFF;
	s19 =	sshll.u32 s6, $0x1;
	s3 =	sadd.s32 s4, s17  }
0x9f: {  	s7 =	simm.s32 $0x0;
	s18 =	sshll.u32 s5, $0x1;
	s5 =	sadd.s32 s19, s3  }
0xa0: {  	[timem:s7], [sflag:s20] =	dma.local [hbm:s5], s18  }
0xa1: {  	_ =	swait.ge [sflag:s20], s18  }
0xa2: {  	s4 =	ssub.s32 $0x0, s18;
	[sflag:s20] =	ssyncset.done $0x0  }
0xa3: {  	[sflag:s20] =	ssyncadd.s32 s4;
	_ =	sdelay $0x1  }
0xa4: {  	s21 =	simm.s32 $0x1B8B  }
0xa5: {  	_ =	swait.ge [sflag:s21], $0x1  }
0xa6: {  	[sflag:s21] =	ssyncset.done $0x0  }
0xa7: {  	s23 =	simm.s32 $0x1B8E;
	s22 =	sld [smem:$0x3FFE];
	[sflag:s21] =	ssyncadd.s32 $0xFFFFFFFF  }
0xa8: {  	s24 =	simm.s32 $execute0_lowered;
	[smem:$0x3FD2] =	sst s23  }
0xa9: {  	s5 =	sshll.u32 s24, $0x1;
	_ =	strace $0x80000046;
	[dreg:$0x1] =	wrdreg $0xFFFFFFFF  }
0xaa: {  	s25 =	simm.s32 $_size_execute0_lowered;
	s3 =	sadd.s32 s3, s5;
	[dreg:$0x0] =	wrdreg $0x0  }
0xab: {  	s5 =	sshll.u32 s25, $0x1;
	[dreg:$0x2] =	wrdreg s3  }
0xac: {  	[dreg:$0x3] =	wrdreg s5  }
0xad: {  	[dreg:$0x4] =	wrdreg $0xC0  }
0xae: {  	_ =	task [dreg:s7], $0x5FFFF  }
0xaf: {  	[dreg:$0x1] =	wrdreg $0xFFFFFFFF  }
0xb0: {  	[dreg:$0x0] =	wrdreg $0x60  }
0xb1: {  	[dreg:$0x2] =	wrdreg s13  }
0xb2: {  	[dreg:$0x3] =	wrdreg s14  }
0xb3: {  	[dreg:$0x4] =	wrdreg s15  }
0xb4: {  	[dreg:$0x5] =	wrdreg s22  }
0xb5: {  	[dreg:$0x6] =	wrdreg $0xCA800  }
0xb6: {  	[dreg:$0x7] =	wrdreg $0x9  }
0xb7: {  	_ =	task.clear_ibuf [dreg:s7], $0x8FFFF;
	_ =	strace $0x90000046  }
0xb8: {  	s26 =	simm.s32 $0x9;
	_ =	strace $0x80000048  }
0xb9: {  	_ =	swait.ge [sflag:s26], $0x1  }
0xba: {  	[sflag:s26] =	ssyncadd.s32 $0xFFFFFFFF  }
0xbb: {  	_ =	strace $0x90000048  }
0xbc: {  	_ =	sfence  }
0xbd: {  	s28 =	sld [smem:$0x0];
	_ =	sdelay $0x1  }
0xbe: {  	s29 =	srdreg.scid  }
0xbf: {  	s30 =	sshll.u32 s29, $0xD;
	s31 =	sshrl.u32 s29, $0x2  }
0xc0: {  	s1 =	sand.u32 $0x1, s29;
	s2 =	sand.u32 $0x4000, s30;
	s0 =	sadd.s32 s31, s28  }
0xc1: {  	s1 =	sor.u32 s2, s1;
	s0 =	sshll.u32 s0, $0x11  }
0xc2: {  	s0 =	sor.u32 s0, s1  }
0xc3: {  	s0 =	sadd.s32 $0x8F2B, s0  }
0xc4: {  	[sflag:s0] =	ssyncadd.remote.s32 $0x1  }
0xc5: {  	_ =	sfence.sel $0xFFFF  }
0xc6: {  	[dreg:$0x0] =	wrdreg $0xFFFFFFFF;
	(pc) =	sbr.abs _section_cstart, $3  }
0xc7: {  	[dreg:$0x1] =	wrdreg $0xFFFFFFFF  }
0xc8: {  	_ =	task.clear_ibuf [dreg:s7], $0x2FFFF;
	_ =	strace $0x9FFFFFFF  }
0xc9: {  	(tm) =	ssettm $0x7FFFFFFF  }
tec
execute0_lowered:
.L_overlay_start_1:
0x0: {  	(tag) =	ssettag $0x1  }
0x1: {  	s5 =	rddreg [dreg:$0x0]  }
0x2: {  	s6 =	rddreg [dreg:$0x1];
	s3 =	stileid.u32  }
0x3: {  	s7 =	rddreg [dreg:$0x2];
	s4 =	smul.u32 $0x186A, s3  }
0x4: {  	s1 =	rddreg [dreg:$0x3]  }
0x5: {  	s2 =	rddreg [dreg:$0x4];
	s8 =	simm.s32 $0x0;
	s4 =	sand.u32 $0x1FF80, s4  }
0x6: {  	[smem:$0x7FF] =	sst s8;
	s4 =	smin.u32 s4, $0x16D80  }
0x7: {  	s0 =	rddreg [dreg:$0x5];
	_ =	strace $0x80000047;
	s5 =	sadd.s32 s5, s4  }
0x8: {  	[tilespmem:s8], [sflag:$0x1] =	stream.linear.gather [hbm4b:s5+s8], $0x6400, $0x38;
	[tilespmem:$0xCA90] =	vst v63  }
0x9: {  	s9 =	simm.s32 $0x6400;
	s5 =	sadd.s32 $0xC80, s5  }
0xa: {  	[tilespmem:s9], [sflag:$0x2] =	stream.linear.gather [hbm4b:s5+s8], $0x6400, $0x38;
	[tilespmem:$0xCA90] =	vst v63  }
0xb: {  	s22 =	simm.s32 $0xC800;
	s23 =	simm.s32 $0x3  }
0xc: {  	[tilespmem:s22], [sflag:$0x3] =	stream.linear.gather [hbm4b:s6+s8], $0x8, $0x38;
	[tilespmem:$0xCA90] =	vst v63  }
0xd: {  	_ =	swait.ge [sflag:s23], $0x8  }
0xe: {  	[sflag:s23] =	ssyncset.done $0x0  }
0xf: {  	s24 =	simm.s32 $0xC880;
	[sflag:s23] =	ssyncadd.s32 $0xFFFFFFF8  }
0x10: {  	[tilespmem:s24], [sflag:$0x3] =	stream.linear.gather [hbm4b:s7+s8], $0x80, $0x38;
	[tilespmem:$0xCA90] =	vst v63  }
0x11: {  	_ =	swait.ge [sflag:s23], $0x80  }
0x12: {  	[sflag:s23] =	ssyncset.done $0x0  }
0x13: {  	[sflag:s23] =	ssyncadd.s32 $0xFFFFFF80  }
0x14: {  	v2 =	vld [tilespmem:$0xC800];
	_ =	sdelay $0x3  }
0x15: {  	vm0 =	vmmov $0x1  }
0x16: {  	vm1 =	vcmask $0x308;
	v0 =	vnsel vm0, $0x0, v2  }
0x17: {  	(xrf2) =	vadd.scan.msk.f32 $0xffff, v0;
	v0 =	vsel vm1, $0x0, v2  }
0x18: {  	(xrf2) =	vadd.scan.msk.f32 $0xffff, v0;
	_ =	sdelay $0x8  }
0x19: {  	v0, _, _ =	vpop (xrf2)  }
0x1a: {  	s25 =	simm.s32 $0x1;
	s26 =	simm.s32 $0x480;
	v1, _, _ =	vpop (xrf2)  }
0x1b: {  	s29 =	simm.s32 $0x0;
	s5 =	simm.s32 $0x90;
	_ =	swait.ge [sflag:s25], $0x6400  }
0x1c: {  	s28 =	sand.u32 $0x70, s5;
	s7 =	sand.u32 $0xFC00, s26;
	[sflag:s25] =	ssyncset.done $0x0  }
0x1d: {  	s30 =	simm.s32 $0x400;
	s6 =	sor.u32 s28, s7;
	[sflag:s25] =	ssyncadd.s32 $0xFFFF9C00  }
0x1e: {  	s31 =	sand.u32 $0x60, s29;
	s9 =	sand.u32 $0xFC00, s30;
	v4 =	vld [tilespmem:s6+$0x80]  }
0x1f: {  	s10 =	simm.s32 $0x70;
	s11 =	simm.s32 $0x380;
	s9 =	sor.u32 s31, s9;
	v5 =	vld [tilespmem:s6+$0x100]  }
0x20: {  	s14 =	sand.u32 $0x70, s10;
	s11 =	sand.u32 $0xFC00, s11;
	v7 =	vld [tilespmem:s9+$0x80]  }
0x21: {  	s12 =	simm.s32 $0x60;
	s13 =	simm.s32 $0x300;
	s6 =	sor.u32 s14, s11;
	v9 =	vld [tilespmem:s9+$0x100]  }
0x22: {  	s15 =	sand.u32 $0x60, s12;
	s16 =	sand.u32 $0xFC00, s13;
	v10 =	vld [tilespmem:s6+$0x80]  }
0x23: {  	s17 =	simm.s32 $0x50;
	s14 =	simm.s32 $0x280;
	s9 =	sor.u32 s15, s16;
	v12 =	vld [tilespmem:s6+$0x100]  }
0x24: {  	s18 =	sand.u32 $0x70, s17;
	s19 =	sand.u32 $0xFC00, s14;
	v13 =	vld [tilespmem:s9+$0x80]  }
0x25: {  	s20 =	simm.s32 $0x40;
	s15 =	simm.s32 $0x200;
	v15 =	vld [tilespmem:s9+$0x100];
	s6 =	sor.u32 s18, s19  }
0x26: {  	s21 =	sand.u32 $0x60, s20;
	s22 =	sand.u32 $0xFC00, s15;
	v16 =	vld [tilespmem:s6+$0x80]  }
0x27: {  	s23 =	simm.s32 $0x20;
	s16 =	simm.s32 $0x100;
	s9 =	sor.u32 s21, s22;
	v17 =	vld [tilespmem:s6+$0x100]  }
0x28: {  	s24 =	simm.s32 $0x0;
	s25 =	sand.u32 $0x60, s23;
	s16 =	sand.u32 $0xFC00, s16;
	v19 =	vld [tilespmem:s9+$0x80]  }
0x29: {  	v0 =	vbroadcast v0, $0xF;
	s11 =	sor.u32 s25, s16;
	s6 =	sand.u32 $0x7C00, s24;
	v21 =	vld [tilespmem:s9+$0x100]  }
0x2a: {  	v23 =	vimm.f32 $3.399999950e+38;
	s26 =	simm.s32 $0x10;
	v1 =	vbroadcast v1, $0xF;
	v24 =	vld [tilespmem:s11+$0x80];
	s7 =	sor.u32 s31, s6  }
0x2b: {  	v25 =	vimm.s32 $0x0;
	v3 =	vlaneseq.u32;
	s28 =	sand.u32 $0x70, s26;
	v22 =	vld [tilespmem:s7+$0x80];
	v6 =	vsub.f32 v4, v0  }
0x2c: {  	v27 =	vor.u32 s29, v3;
	s6 =	sor.u32 s28, s6;
	v5 =	vsub.f32 v5, v1;
	v26 =	vld [tilespmem:s7+$0x100];
	v8 =	vsub.f32 v7, v0  }
0x2d: {  	v28 =	vld [tilespmem:s6+$0x80];
	v4 =	vor.u32 s10, v3;
	v9 =	vsub.f32 v9, v1;
	v11 =	vsub.f32 v10, v0  }
0x2e: {  	s29 =	simm.s32 $0x30;
	s30 =	simm.s32 $0x180;
	v29 =	vld [tilespmem:s6+$0x100];
	v7 =	vor.u32 s12, v3;
	v14 =	vsub.f32 v13, v0;
	v12 =	vsub.f32 v12, v1  }
0x2f: {  	s8 =	sand.u32 $0xFC00, s30;
	v30 =	vld [tilespmem:s11+$0x100];
	s31 =	sand.u32 $0x70, s29;
	v10 =	vor.u32 s17, v3;
	v15 =	vsub.f32 v15, v1;
	v18 =	vsub.f32 v16, v0  }
0x30: {  	s6 =	sor.u32 s31, s8;
	v13 =	vor.u32 s20, v3;
	v20 =	vsub.f32 v19, v0;
	v17 =	vsub.f32 v17, v1  }
0x31: {  	v31 =	vld [tilespmem:s6+$0x80];
	v16 =	vor.u32 s29, v3;
	v22 =	vsub.f32 v22, v0;
	v26 =	vsub.f32 v26, v1  }
0x32: {  	v32 =	vld [tilespmem:s6+$0x100];
	v19 =	vor.u32 s23, v3;
	v24 =	vsub.f32 v24, v0;
	v28 =	vsub.f32 v28, v0  }
0x33: {  	v29 =	vsub.f32 v29, v1;
	v33 =	vmul.f32 v22, v22;
	v26 =	vmul.f32 v26, v26  }
0x34: {  	p0 =	por $0x1, $0x1;
	v21 =	vsub.f32 v21, v1;
	v30 =	vsub.f32 v30, v1;
	v24 =	vmul.f32 v24, v24  }
.Ltmp0:
0x35: {  	v33 =	vadd.f32 v26, v33;
	v26 =	vmul.f32 v28, v28;
	v28 =	vmul.f32 v29, v29;
	(pc) =	sbr.rel @!p0 .LBB2_2-.Ltmp0, $4  }
0x36: {  	v30 =	vmul.f32 v30, v30;
	v22 =	vor.u32 s26, v3;
	v29 =	vsub.f32 v31, v0  }
0x37: {  	v31 =	vsub.f32 v32, v1;
	vm1 =	vlt.f32 v33, v23;
	v26 =	vadd.f32 v28, v26  }
0x38: {  	v24 =	vadd.f32 v30, v24;
	v28 =	vsel vm1, v33, v23;
	v23 =	vsel vm1, v27, v25  }
0x39: {  	s1 =	sadd.s32 $0xA00, s1;
	s7 =	simm.s32 $0x130;
	s6 =	simm.s32 $0x980;
	v25 =	vmul.f32 v29, v29;
	v27 =	vmul.f32 v31, v31;
	vm1 =	vlt.f32 v26, v28  }
.LBB2_1:
0x3a: {  	s8 =	sand.u32 $0x70, s7;
	s10 =	sand.u32 $0xFC00, s6;
	v26 =	vsel vm1, v26, v28;
	v22 =	vsel vm1, v22, v23;
	v20 =	vmul.f32 v20, v20  }
0x3b: {  	s9 =	sadd.s32 $0xFFFFFF70, s7;
	s12 =	sadd.s32 $0xFFFFFF80, s6;
	v21 =	vmul.f32 v21, v21;
	s10 =	sor.u32 s8, s10;
	vm1 =	vlt.f32 v24, v26;
	v23 =	vadd.f32 v27, v25  }
0x3c: {  	v18 =	vmul.f32 v18, v18;
	s11 =	sand.u32 $0x60, s9;
	s12 =	sand.u32 $0xFC00, s12;
	p0 =	slt.u32 s9, $0xBE0;
	v25 =	vld [tilespmem:s10+$0x80];
	v24 =	vsel vm1, v24, v26;
	v19 =	vsel vm1, v19, v22  }
0x3d: {  	s13 =	sadd.s32 $0xFFFFFF00, s6;
	v17 =	vmul.f32 v17, v17;
	s8 =	sadd.s32 $0xFFFFFFE0, s7;
	s12 =	sor.u32 s11, s12;
	v20 =	vadd.f32 v21, v20;
	v22 =	vld [tilespmem:s10+$0x100];
	vm1 =	vlt.f32 v23, v24  }
0x3e: {  	v14 =	vmul.f32 v14, v14;
	s13 =	sand.u32 $0xFC00, s13;
	s14 =	sand.u32 $0x70, s8;
	v21 =	vld [tilespmem:s12+$0x80];
	v23 =	vsel vm1, v23, v24;
	v16 =	vsel vm1, v16, v19  }
0x3f: {  	s15 =	sadd.s32 $0xFFFFFE80, s6;
	v15 =	vmul.f32 v15, v15;
	v17 =	vadd.f32 v17, v18;
	s10 =	sadd.s32 $0xFFFFFFD0, s7;
	s13 =	sor.u32 s14, s13;
	v19 =	vld [tilespmem:s12+$0x100];
	vm1 =	vlt.f32 v20, v23  }
0x40: {  	v11 =	vmul.f32 v11, v11;
	s15 =	sand.u32 $0xFC00, s15;
	s14 =	sand.u32 $0x60, s10;
	v18 =	vld [tilespmem:s13+$0x80];
	v20 =	vsel vm1, v20, v23;
	v13 =	vsel vm1, v13, v16  }
0x41: {  	s16 =	sadd.s32 $0xFFFFFE00, s6;
	v12 =	vmul.f32 v12, v12;
	v14 =	vadd.f32 v15, v14;
	s12 =	sadd.s32 $0xFFFFFFC0, s7;
	s14 =	sor.u32 s14, s15;
	v16 =	vld [tilespmem:s13+$0x100];
	vm1 =	vlt.f32 v17, v20  }
0x42: {  	v8 =	vmul.f32 v8, v8;
	s16 =	sand.u32 $0xFC00, s16;
	s15 =	sand.u32 $0x70, s12;
	v15 =	vld [tilespmem:s14+$0x80];
	v17 =	vsel vm1, v17, v20;
	v10 =	vsel vm1, v10, v13  }
0x43: {  	s17 =	sadd.s32 $0xFFFFFD80, s6;
	v9 =	vmul.f32 v9, v9;
	v11 =	vadd.f32 v12, v11;
	s13 =	sadd.s32 $0xFFFFFFB0, s7;
	s15 =	sor.u32 s15, s16;
	v13 =	vld [tilespmem:s14+$0x100];
	vm1 =	vlt.f32 v14, v17  }
0x44: {  	s18 =	sadd.s32 $0xFFFFFFF0, s5;
	v6 =	vmul.f32 v6, v6;
	s17 =	sand.u32 $0xFC00, s17;
	s16 =	sand.u32 $0x60, s13;
	v20 =	vld [tilespmem:s15+$0x80];
	v12 =	vsel vm1, v14, v17;
	v7 =	vsel vm1, v7, v10  }
0x45: {  	s19 =	sadd.s32 $0xFFFFFC80, s6;
	v5 =	vmul.f32 v5, v5;
	v8 =	vadd.f32 v9, v8;
	s14 =	sadd.s32 $0xFFFFFF90, s7;
	s16 =	sor.u32 s16, s17;
	v17 =	vld [tilespmem:s15+$0x100];
	vm1 =	vlt.f32 v11, v12  }
0x46: {  	s19 =	sand.u32 $0xFC00, s19;
	s17 =	sand.u32 $0x60, s14;
	s15 =	sadd.s32 $0xFFFFFB80, s6;
	v23 =	vld [tilespmem:s16+$0x80];
	v9 =	vsel vm1, v11, v12;
	v4 =	vsel vm1, v4, v7;
	v7 =	vor.u32 s5, v3  }
0x47: {  	v10 =	vor.u32 s18, v3;
	s17 =	sor.u32 s17, s19;
	s15 =	sand.u32 $0x7C00, s15;
	v11 =	vadd.f32 v5, v6;
	s5 =	smov.u32 s7;
	v24 =	vld [tilespmem:s16+$0x100];
	vm1 =	vlt.f32 v8, v9  }
0x48: {  	v27 =	vor.u32 s9, v3;
	s9 =	sadd.s32 $0xFFFFFF80, s7;
	s11 =	sor.u32 s11, s15;
	v26 =	vld [tilespmem:s17+$0x80];
	v9 =	vsel vm1, v8, v9;
	v4 =	vsel vm1, v10, v4  }
0x49: {  	v6 =	vsub.f32 v25, v0;
	v5 =	vsub.f32 v22, v1;
	s16 =	sand.u32 $0x70, s9;
	v28 =	vld [tilespmem:s11+$0x80];
	vm1 =	vlt.f32 v11, v9  }
0x4a: {  	v8 =	vsub.f32 v21, v0;
	v22 =	vld [tilespmem:s11+$0x100];
	s11 =	sor.u32 s16, s15;
	v25 =	vsel vm1, v11, v9;
	v29 =	vsel vm1, v7, v4  }
0x4b: {  	s15 =	sadd.s32 $0xFFFFFFA0, s7;
	s16 =	sadd.s32 $0xFFFFFD00, s6;
	v11 =	vsub.f32 v18, v0;
	v4 =	vor.u32 s8, v3;
	v9 =	vsub.f32 v19, v1;
	v21 =	vld [tilespmem:s11+$0x80]  }
0x4c: {  	v12 =	vsub.f32 v16, v1;
	v14 =	vsub.f32 v15, v0;
	v7 =	vor.u32 s10, v3;
	s8 =	sand.u32 $0x70, s15;
	v30 =	vld [tilespmem:s11+$0x100];
	s11 =	sand.u32 $0xFC00, s16  }
0x4d: {  	v10 =	vor.u32 s12, v3;
	v15 =	vsub.f32 v13, v1;
	v18 =	vsub.f32 v20, v0;
	v31 =	vld [tilespmem:s17+$0x100];
	s8 =	sor.u32 s8, s11  }
0x4e: {  	v13 =	vor.u32 s13, v3;
	v17 =	vsub.f32 v17, v1;
	v20 =	vsub.f32 v23, v0;
	v32 =	vld [tilespmem:s8+$0x80]  }
0x4f: {  	v16 =	vor.u32 s15, v3;
	v23 =	vsub.f32 v28, v0;
	v22 =	vsub.f32 v22, v1;
	v28 =	vld [tilespmem:s8+$0x100]  }
0x50: {  	v19 =	vor.u32 s14, v3;
	v33 =	vsub.f32 v21, v0;
	v21 =	vsub.f32 v24, v1  }
0x51: {  	v23 =	vmul.f32 v23, v23;
	v24 =	vmul.f32 v22, v22;
	v30 =	vsub.f32 v30, v1  }
0x52: {  	v26 =	vsub.f32 v26, v0;
	v22 =	vor.u32 s9, v3;
	v31 =	vsub.f32 v31, v1  }
.Ltmp1:
0x53: {  	v23 =	vadd.f32 v24, v23;
	v24 =	vmul.f32 v33, v33;
	v30 =	vmul.f32 v30, v30;
	(pc) =	sbr.rel @p0 .LBB2_1-.Ltmp1, $4  }
0x54: {  	v33 =	vmul.f32 v26, v26;
	v32 =	vsub.f32 v32, v0;
	v34 =	vsub.f32 v28, v1  }
0x55: {  	vm1 =	vlt.f32 v23, v25;
	v26 =	vadd.f32 v30, v24;
	v24 =	vmul.f32 v31, v31  }
0x56: {  	v28 =	vsel vm1, v23, v25;
	v23 =	vsel vm1, v27, v29;
	v25 =	vmul.f32 v32, v32  }
0x57: {  	s6 =	sadd.s32 $0x500, s6;
	s7 =	sadd.s32 $0xA0, s7;
	v27 =	vmul.f32 v34, v34;
	vm1 =	vlt.f32 v26, v28;
	v24 =	vadd.f32 v24, v33  }
.LBB2_2:
0x58: {  	s7 =	simm.s32 $0x2;
	s8 =	simm.s32 $0x6880  }
0x59: {  	v26 =	vsel vm1, v26, v28;
	v20 =	vmul.f32 v20, v20;
	s6 =	simm.s32 $0xD10;
	s28 =	simm.s32 $0xC80;
	_ =	swait.ge [sflag:s7], $0x6400  }
0x5a: {  	v21 =	vmul.f32 v21, v21;
	vm2 =	vlt.f32 v24, v26;
	v25 =	vadd.f32 v27, v25;
	s9 =	sand.u32 $0x70, s6;
	s8 =	sand.u32 $0x1FC00, s8;
	[sflag:s7] =	ssyncset.done $0x0  }
0x5b: {  	v18 =	vmul.f32 v18, v18;
	s11 =	simm.s32 $0x6800;
	v24 =	vsel vm2, v24, v26;
	s9 =	sor.u32 s9, s8;
	[sflag:s7] =	ssyncadd.s32 $0xFFFF9C00  }
0x5c: {  	v17 =	vmul.f32 v17, v17;
	s10 =	sand.u32 $0x60, s28;
	s11 =	sand.u32 $0x1FC00, s11;
	v20 =	vadd.f32 v21, v20;
	vm3 =	vlt.f32 v25, v24;
	v21 =	vld [tilespmem:s9+$0x80]  }
0x5d: {  	v22 =	vsel vm1, v22, v23;
	s17 =	simm.s32 $0xCA0;
	s18 =	simm.s32 $0x6500;
	s11 =	sor.u32 s10, s11;
	v23 =	vsel vm3, v25, v24;
	v24 =	vld [tilespmem:s9+$0x100]  }
0x5e: {  	s21 =	sand.u32 $0x60, s17;
	s18 =	sand.u32 $0x1FC00, s18;
	v17 =	vadd.f32 v17, v18;
	v18 =	vld [tilespmem:s11+$0x80]  }
0x5f: {  	v14 =	vmul.f32 v14, v14;
	s12 =	simm.s32 $0x6780;
	s8 =	simm.s32 $0xCF0;
	v19 =	vsel vm2, v19, v22;
	s22 =	sor.u32 s21, s18;
	v22 =	vld [tilespmem:s11+$0x100]  }
0x60: {  	v15 =	vmul.f32 v15, v15;
	v11 =	vmul.f32 v11, v11;
	s14 =	simm.s32 $0x6700;
	s12 =	sand.u32 $0x1FC00, s12;
	s13 =	sand.u32 $0x70, s8;
	v25 =	vld [tilespmem:s22+$0x80];
	vm4 =	vlt.f32 v20, v23  }
0x61: {  	v12 =	vmul.f32 v12, v12;
	v8 =	vmul.f32 v8, v8;
	s15 =	simm.s32 $0x6680;
	s9 =	simm.s32 $0xCE0;
	s12 =	sor.u32 s13, s12;
	v32 =	vld [tilespmem:s22+$0x100];
	v20 =	vsel vm4, v20, v23  }
0x62: {  	v9 =	vmul.f32 v9, v9;
	s16 =	simm.s32 $0x6600;
	s14 =	sand.u32 $0x1FC00, s14;
	v14 =	vadd.f32 v15, v14;
	s29 =	sand.u32 $0x60, s9;
	v15 =	vld [tilespmem:s12+$0x80];
	vm1 =	vlt.f32 v17, v20  }
0x63: {  	v6 =	vmul.f32 v6, v6;
	s31 =	sadd.s32 $0xFFFFFFF0, s5;
	v16 =	vsel vm3, v16, v19;
	s11 =	simm.s32 $0xCD0;
	v19 =	vld [tilespmem:s12+$0x100];
	s13 =	sor.u32 s29, s14;
	v17 =	vsel vm1, v17, v20  }
0x64: {  	v5 =	vmul.f32 v5, v5;
	s15 =	sand.u32 $0x1FC00, s15;
	v11 =	vadd.f32 v12, v11;
	s30 =	sand.u32 $0x70, s11;
	s12 =	simm.s32 $0xCC0;
	v12 =	vld [tilespmem:s13+$0x80];
	vm2 =	vlt.f32 v14, v17  }
0x65: {  	s16 =	sand.u32 $0x1FC00, s16;
	v8 =	vadd.f32 v9, v8;
	v13 =	vsel vm4, v13, v16;
	s14 =	sor.u32 s30, s15;
	s19 =	sand.u32 $0x60, s12;
	v16 =	vld [tilespmem:s13+$0x100];
	v14 =	vsel vm2, v14, v17  }
0x66: {  	v5 =	vadd.f32 v5, v6;
	v6 =	vor.u32 s31, v3;
	s15 =	sor.u32 s19, s16;
	v20 =	vld [tilespmem:s14+$0x100];
	vm3 =	vlt.f32 v11, v14  }
0x67: {  	s20 =	simm.s32 $0x6400;
	v9 =	vsel vm1, v10, v13;
	v23 =	vld [tilespmem:s15+$0x100];
	v25 =	vsub.f32 v25, v0;
	v10 =	vsel vm3, v11, v14  }
0x68: {  	v32 =	vsub.f32 v32, v1;
	v17 =	vld [tilespmem:s14+$0x80];
	v7 =	vsel vm2, v7, v9;
	s14 =	sand.u32 $0xFC00, s20;
	vm1 =	vlt.f32 v8, v10  }
0x69: {  	s24 =	simm.s32 $0xC90;
	v13 =	vld [tilespmem:s15+$0x80];
	v9 =	vsub.f32 v22, v1;
	s23 =	sor.u32 s10, s14;
	v4 =	vsel vm3, v4, v7;
	v7 =	vsel vm1, v8, v10  }
0x6a: {  	s25 =	sand.u32 $0x70, s24;
	v26 =	vld [tilespmem:s23+$0x80];
	v11 =	vsub.f32 v15, v0;
	v4 =	vsel vm1, v6, v4;
	vm1 =	vlt.f32 v5, v7  }
0x6b: {  	s26 =	sor.u32 s25, s14;
	v14 =	vsub.f32 v12, v0;
	v27 =	vsel vm1, v5, v7;
	v5 =	vsub.f32 v24, v1;
	v24 =	vld [tilespmem:s23+$0x100]  }
0x6c: {  	v29 =	vor.u32 s28, v3;
	s28 =	simm.s32 $0xCB0;
	s29 =	simm.s32 $0x6580;
	v30 =	vld [tilespmem:s26+$0x80];
	v12 =	vsub.f32 v19, v1;
	v15 =	vsub.f32 v16, v1  }
0x6d: {  	s30 =	sand.u32 $0x70, s28;
	s31 =	sand.u32 $0x1FC00, s29;
	v31 =	vld [tilespmem:s26+$0x100];
	v16 =	vor.u32 s28, v3;
	v19 =	vsub.f32 v20, v1;
	v22 =	vsub.f32 v23, v1  }
0x6e: {  	v8 =	vor.u32 s5, v3;
	v6 =	vsub.f32 v21, v0;
	s5 =	sor.u32 s30, s31;
	v10 =	vor.u32 s11, v3  }
0x6f: {  	v21 =	vsub.f32 v13, v0;
	v33 =	vld [tilespmem:s5+$0x80];
	v28 =	vsel vm1, v8, v4;
	v8 =	vsub.f32 v18, v0  }
0x70: {  	v13 =	vor.u32 s12, v3;
	v20 =	vsub.f32 v26, v0;
	v26 =	vld [tilespmem:s5+$0x100];
	v24 =	vsub.f32 v24, v1  }
0x71: {  	v4 =	vor.u32 s8, v3;
	v7 =	vor.u32 s9, v3;
	v30 =	vsub.f32 v30, v0  }
0x72: {  	v31 =	vsub.f32 v31, v1;
	v23 =	vmul.f32 v20, v20;
	v24 =	vmul.f32 v24, v24  }
0x73: {  	p0 =	por $0x1, $0x1;
	v18 =	vsub.f32 v17, v0;
	v17 =	vor.u32 s17, v3;
	v20 =	vor.u32 s24, v3  }
.Ltmp2:
0x74: {  	v23 =	vadd.f32 v24, v23;
	v24 =	vmul.f32 v30, v30;
	v30 =	vmul.f32 v31, v31;
	(pc) =	sbr.rel @!p0 .LBB2_4-.Ltmp2, $4  }
0x75: {  	v63 =	vsub.f32 v26, v1;
	v31 =	vmul.f32 v25, v25;
	v25 =	vsub.f32 v33, v0  }
0x76: {  	vm1 =	vlt.f32 v23, v27;
	v26 =	vadd.f32 v30, v24;
	v24 =	vmul.f32 v32, v32  }
0x77: {  	v25 =	vmul.f32 v25, v25;
	v27 =	vsel vm1, v23, v27;
	v23 =	vsel vm1, v29, v28  }
0x78: {  	s7 =	simm.s32 $0xDB0;
	s5 =	simm.s32 $0x6D80;
	v28 =	vmul.f32 v63, v63;
	vm1 =	vlt.f32 v26, v27;
	v24 =	vadd.f32 v24, v31  }
.LBB2_3:
0x79: {  	s8 =	sand.u32 $0x70, s7;
	s10 =	sand.u32 $0x1FC00, s5;
	v26 =	vsel vm1, v26, v27;
	v20 =	vsel vm1, v20, v23;
	v21 =	vmul.f32 v21, v21  }
0x7a: {  	s9 =	sadd.s32 $0xFFFFFF70, s7;
	s12 =	sadd.s32 $0xFFFFFF80, s5;
	v22 =	vmul.f32 v22, v22;
	s10 =	sor.u32 s8, s10;
	vm1 =	vlt.f32 v24, v26;
	v23 =	vadd.f32 v28, v25  }
0x7b: {  	v18 =	vmul.f32 v18, v18;
	s11 =	sand.u32 $0x60, s9;
	s12 =	sand.u32 $0x1FC00, s12;
	p0 =	slt.u32 s9, $0x1860;
	v25 =	vld [tilespmem:s10+$0x80];
	v24 =	vsel vm1, v24, v26;
	v17 =	vsel vm1, v17, v20  }
0x7c: {  	s13 =	sadd.s32 $0xFFFFFF00, s5;
	v19 =	vmul.f32 v19, v19;
	s8 =	sadd.s32 $0xFFFFFFE0, s7;
	s12 =	sor.u32 s11, s12;
	v21 =	vadd.f32 v22, v21;
	v20 =	vld [tilespmem:s10+$0x100];
	vm1 =	vlt.f32 v23, v24  }
0x7d: {  	v14 =	vmul.f32 v14, v14;
	s13 =	sand.u32 $0x1FC00, s13;
	s14 =	sand.u32 $0x70, s8;
	v22 =	vld [tilespmem:s12+$0x80];
	v23 =	vsel vm1, v23, v24;
	v16 =	vsel vm1, v16, v17  }
0x7e: {  	s15 =	sadd.s32 $0xFFFFFE80, s5;
	v15 =	vmul.f32 v15, v15;
	v18 =	vadd.f32 v19, v18;
	s10 =	sadd.s32 $0xFFFFFFD0, s7;
	s13 =	sor.u32 s14, s13;
	v17 =	vld [tilespmem:s12+$0x100];
	vm1 =	vlt.f32 v21, v23  }
0x7f: {  	v11 =	vmul.f32 v11, v11;
	s15 =	sand.u32 $0x1FC00, s15;
	s14 =	sand.u32 $0x60, s10;
	v19 =	vld [tilespmem:s13+$0x80];
	v21 =	vsel vm1, v21, v23;
	v13 =	vsel vm1, v13, v16  }
0x80: {  	s16 =	sadd.s32 $0xFFFFFE00, s5;
	v12 =	vmul.f32 v12, v12;
	v14 =	vadd.f32 v15, v14;
	s12 =	sadd.s32 $0xFFFFFFC0, s7;
	s14 =	sor.u32 s14, s15;
	v16 =	vld [tilespmem:s13+$0x100];
	vm1 =	vlt.f32 v18, v21  }
0x81: {  	v8 =	vmul.f32 v8, v8;
	s16 =	sand.u32 $0x1FC00, s16;
	s15 =	sand.u32 $0x70, s12;
	v15 =	vld [tilespmem:s14+$0x80];
	v18 =	vsel vm1, v18, v21;
	v10 =	vsel vm1, v10, v13  }
0x82: {  	s17 =	sadd.s32 $0xFFFFFD80, s5;
	v9 =	vmul.f32 v9, v9;
	v11 =	vadd.f32 v12, v11;
	s13 =	sadd.s32 $0xFFFFFFB0, s7;
	s15 =	sor.u32 s15, s16;
	v13 =	vld [tilespmem:s14+$0x100];
	vm1 =	vlt.f32 v14, v18  }
0x83: {  	s18 =	sadd.s32 $0xFFFFFFF0, s6;
	v6 =	vmul.f32 v6, v6;
	s17 =	sand.u32 $0x1FC00, s17;
	s16 =	sand.u32 $0x60, s13;
	v21 =	vld [tilespmem:s15+$0x80];
	v12 =	vsel vm1, v14, v18;
	v7 =	vsel vm1, v7, v10  }
0x84: {  	s19 =	sadd.s32 $0xFFFFFC80, s5;
	v5 =	vmul.f32 v5, v5;
	v8 =	vadd.f32 v9, v8;
	s14 =	sadd.s32 $0xFFFFFF90, s7;
	s16 =	sor.u32 s16, s17;
	v23 =	vld [tilespmem:s15+$0x100];
	vm1 =	vlt.f32 v11, v12  }
0x85: {  	s19 =	sand.u32 $0x1FC00, s19;
	s17 =	sand.u32 $0x60, s14;
	s15 =	sadd.s32 $0xFFFFFB80, s5;
	v24 =	vld [tilespmem:s16+$0x80];
	v9 =	vsel vm1, v11, v12;
	v4 =	vsel vm1, v4, v7;
	v7 =	vor.u32 s6, v3  }
0x86: {  	v10 =	vor.u32 s18, v3;
	s17 =	sor.u32 s17, s19;
	s15 =	sand.u32 $0xFC00, s15;
	v11 =	vadd.f32 v5, v6;
	s6 =	smov.u32 s7;
	v26 =	vld [tilespmem:s16+$0x100];
	vm1 =	vlt.f32 v8, v9  }
0x87: {  	v28 =	vor.u32 s9, v3;
	s9 =	sadd.s32 $0xFFFFFF80, s7;
	s11 =	sor.u32 s11, s15;
	v27 =	vld [tilespmem:s17+$0x80];
	v9 =	vsel vm1, v8, v9;
	v4 =	vsel vm1, v10, v4  }
0x88: {  	v6 =	vsub.f32 v25, v0;
	v5 =	vsub.f32 v20, v1;
	s16 =	sand.u32 $0x70, s9;
	v29 =	vld [tilespmem:s11+$0x80];
	vm1 =	vlt.f32 v11, v9  }
0x89: {  	v8 =	vsub.f32 v22, v0;
	v20 =	vld [tilespmem:s11+$0x100];
	s11 =	sor.u32 s16, s15;
	v25 =	vsel vm1, v11, v9;
	v30 =	vsel vm1, v7, v4  }
0x8a: {  	s15 =	sadd.s32 $0xFFFFFFA0, s7;
	s16 =	sadd.s32 $0xFFFFFD00, s5;
	v11 =	vsub.f32 v19, v0;
	v4 =	vor.u32 s8, v3;
	v9 =	vsub.f32 v17, v1;
	v22 =	vld [tilespmem:s11+$0x80]  }
0x8b: {  	v12 =	vsub.f32 v16, v1;
	v14 =	vsub.f32 v15, v0;
	v7 =	vor.u32 s10, v3;
	s8 =	sand.u32 $0x70, s15;
	v31 =	vld [tilespmem:s11+$0x100];
	s11 =	sand.u32 $0x1FC00, s16  }
0x8c: {  	v10 =	vor.u32 s12, v3;
	v15 =	vsub.f32 v13, v1;
	v18 =	vsub.f32 v21, v0;
	v32 =	vld [tilespmem:s17+$0x100];
	s8 =	sor.u32 s8, s11  }
0x8d: {  	v13 =	vor.u32 s13, v3;
	v19 =	vsub.f32 v23, v1;
	v21 =	vsub.f32 v24, v0;
	v33 =	vld [tilespmem:s8+$0x80]  }
0x8e: {  	v16 =	vor.u32 s15, v3;
	v23 =	vsub.f32 v29, v0;
	v20 =	vsub.f32 v20, v1;
	v24 =	vld [tilespmem:s8+$0x100]  }
0x8f: {  	v17 =	vor.u32 s14, v3;
	v29 =	vsub.f32 v22, v0;
	v22 =	vsub.f32 v26, v1  }
0x90: {  	v23 =	vmul.f32 v23, v23;
	v26 =	vmul.f32 v20, v20;
	v31 =	vsub.f32 v31, v1  }
0x91: {  	v27 =	vsub.f32 v27, v0;
	v20 =	vor.u32 s9, v3;
	v32 =	vsub.f32 v32, v1  }
.Ltmp3:
0x92: {  	v23 =	vadd.f32 v26, v23;
	v26 =	vmul.f32 v29, v29;
	v29 =	vmul.f32 v31, v31;
	(pc) =	sbr.rel @p0 .LBB2_3-.Ltmp3, $4  }
0x93: {  	v31 =	vmul.f32 v27, v27;
	v33 =	vsub.f32 v33, v0;
	v34 =	vsub.f32 v24, v1  }
0x94: {  	v24 =	vmul.f32 v32, v32;
	vm1 =	vlt.f32 v23, v25;
	v26 =	vadd.f32 v29, v26  }
0x95: {  	v27 =	vsel vm1, v23, v25;
	v23 =	vsel vm1, v28, v30;
	v25 =	vmul.f32 v33, v33  }
0x96: {  	s5 =	sadd.s32 $0x500, s5;
	s7 =	sadd.s32 $0xA0, s7;
	v24 =	vadd.f32 v24, v31;
	v28 =	vmul.f32 v34, v34;
	vm1 =	vlt.f32 v26, v27  }
.LBB2_4:
0x97: {  	v26 =	vsel vm1, v26, v27;
	v21 =	vmul.f32 v21, v21  }
0x98: {  	v22 =	vmul.f32 v22, v22;
	vm2 =	vlt.f32 v24, v26;
	v25 =	vadd.f32 v28, v25  }
0x99: {  	v18 =	vmul.f32 v18, v18;
	v24 =	vsel vm2, v24, v26  }
0x9a: {  	v19 =	vmul.f32 v19, v19;
	v21 =	vadd.f32 v22, v21;
	vm3 =	vlt.f32 v25, v24  }
0x9b: {  	v14 =	vmul.f32 v14, v14;
	v56 =	vsel vm3, v25, v24  }
0x9c: {  	v15 =	vmul.f32 v15, v15;
	v18 =	vadd.f32 v19, v18;
	vm4 =	vlt.f32 v21, v56  }
0x9d: {  	v11 =	vmul.f32 v11, v11;
	v57 =	vsel vm4, v21, v56  }
0x9e: {  	v12 =	vmul.f32 v12, v12;
	v14 =	vadd.f32 v15, v14;
	vm5 =	vlt.f32 v18, v57  }
0x9f: {  	v8 =	vmul.f32 v8, v8;
	v58 =	vsel vm5, v18, v57  }
0xa0: {  	v9 =	vmul.f32 v9, v9;
	v11 =	vadd.f32 v12, v11;
	vm6 =	vlt.f32 v14, v58  }
0xa1: {  	v6 =	vmul.f32 v6, v6;
	v59 =	vsel vm6, v14, v58  }
0xa2: {  	v5 =	vmul.f32 v5, v5;
	v8 =	vadd.f32 v9, v8;
	vm7 =	vlt.f32 v11, v59  }
0xa3: {  	v60 =	vsel vm7, v11, v59  }
0xa4: {  	v5 =	vadd.f32 v5, v6;
	vm8 =	vlt.f32 v8, v60  }
0xa5: {  	v6 =	vsel vm8, v8, v60  }
0xa6: {  	vm9 =	vlt.f32 v5, v6  }
0xa7: {  	v5 =	vsel vm9, v5, v6  }
0xa8: {  	v6 =	vsel vm1, v20, v23;
	(xrf0) =	vmin.scan.msk.f32 $0xffff, v5  }
0xa9: {  	v6 =	vsel vm2, v17, v6  }
0xaa: {  	v6 =	vsel vm3, v16, v6  }
0xab: {  	v6 =	vsel vm4, v13, v6  }
0xac: {  	v6 =	vsel vm5, v10, v6  }
0xad: {  	s5 =	sadd.s32 $0xFFFFFFF0, s6;
	v6 =	vsel vm6, v7, v6  }
0xae: {  	v4 =	vsel vm7, v4, v6;
	v6 =	vor.u32 s5, v3;
	v7, _, _ =	vpop (xrf0)  }
0xaf: {  	v3 =	vor.u32 s6, v3;
	v4 =	vsel vm8, v6, v4;
	v6 =	vbroadcast v7, $0xF  }
0xb0: {  	v3 =	vsel vm9, v3, v4  }
0xb1: {  	v3 =	vxor.u32 $0x80000000, v3;
	vm1 =	veq.f32 v5, v6  }
0xb2: {  	v3 =	vnsel vm1, $0xFFFFFFFF, v3  }
0xb3: {  	(xrf0) =	vmin.scan.msk.u32 $0xffff, v3;
	_ =	sdelay $0x5  }
0xb4: {  	v3, _, _ =	vpop (xrf0)  }
0xb5: {  	(v2sf) =	vpush v3, $0xF;
	_ =	sdelay $0xe  }
0xb6: {  	s28 =	spop (v2sf)  }
0xb7: {  	s29 =	sxor.u32 $0x80000000, s28  }
0xb8: {  	p1 =	sgt.s32 s28, $0xFFFFFFFF;
	s5 =	sand.u32 $0xF, s28;
	p0 =	slt.s32 s29, $0x1  }
0xb9: {  	s7 =	sshra.s32 s29, $0x1F;
	p6 =	sne.s32 s5, $0x0;
	p0 =	por p1, p0  }
0xba: {  	s30 =	sshrl.u32 s7, $0x1C;
	p0 =	por !p6, !p0  }
0xbb: {  	s7 =	simm.s32 $0x1;
	s5 =	sadd.s32 s30, s29;
	p0 =	por !p0, !p0  }
0xbc: {  	s5 =	sshra.s32 s5, $0x4;
	s7 =	simm.s32 @!p0 $0x0  }
0xbd: {  	s5 =	ssub.s32 s5, s7  }
0xbe: {  	s7 =	sshll.u32 s5, $0x4;
	s5 =	sshll.u32 s5, $0x7  }
0xbf: {  	s8 =	sand.u32 $0x70, s7;
	s5 =	sand.u32 $0xFFFFFC00, s5  }
0xc0: {  	s5 =	sor.u32 s8, s5  }
0xc1: {  	v3 =	vld [tilespmem:s5+$0x80]  }
0xc2: {  	v5 =	vld [tilespmem:s5+$0x100]  }
0xc3: {  	s7 =	ssub.s32 s29, s7;
	v7 =	vld [tilespmem:s5+$0x180]  }
0xc4: {  	v4 =	vlaneseq.u32;
	v61 =	vmov s7;
	v62 =	vld [tilespmem:s5+$0x280]  }
0xc5: {  	vm1 =	veq.s32 v61, v4  }
0xc6: {  	v3 =	vnsel vm1, $0x0, v3  }
0xc7: {  	(xrf2) =	vadd.scan.msk.f32 $0xffff, v3;
	v3 =	vnsel vm1, $0x0, v5  }
0xc8: {  	(xrf2) =	vadd.scan.msk.f32 $0xffff, v3;
	v3 =	vnsel vm1, $0x0, v7  }
0xc9: {  	(xrf2) =	vadd.scan.msk.f32 $0xffff, v3;
	v3 =	vnsel vm1, $0x0, v62  }
0xca: {  	(xrf2) =	vadd.scan.msk.f32 $0xffff, v3;
	_ =	sdelay $0x6  }
0xcb: {  	v3, _, _ =	vpop (xrf2)  }
0xcc: {  	v5, _, _ =	vpop (xrf2)  }
0xcd: {  	v7, _, _ =	vpop (xrf2)  }
0xce: {  	vm2 =	vcmask $0xB08;
	v63, _, _ =	vpop (xrf2)  }
0xcf: {  	vm1 =	vcmask $0x3F18;
	v7 =	vbroadcast v7, $0xF;
	v8 =	vbroadcast v63, $0xF  }
0xd0: {  	vm1 =	vmor vm2, vm1  }
0xd1: {  	v5 =	vbroadcast v5, $0xF;
	v7 =	vsel vm1, v8, v7;
	vm1 =	vcmask $0x3F14  }
0xd2: {  	s4 =	sadd.s32 s4, s29;
	v3 =	vbroadcast v3, $0xF;
	vm3 =	vmor vm2, vm1;
	vm1 =	vcmask $0x3F10  }
0xd3: {  	s4 =	scvt.s32.f32 s4;
	v5 =	vsel vm3, v7, v5;
	vm3 =	vmor vm2, vm1  }
0xd4: {  	v3 =	vsel vm3, v5, v3;
	vm3 =	veq.s32 v4, $0x1  }
0xd5: {  	v3 =	vsel vm3, s4, v3  }
0xd6: {  	s31 =	sshll.u32 s3, $0x4;
	v3 =	vsel vm0, v6, v3  }
0xd7: {  	s5 =	simm.s32 $0xCA00;
	s4 =	sadd.s32 s31, s2;
	[tilespmem:$0xCA00] =	vst v3  }
0xd8: {  	[spmem:s4] =	stream.linear.scatter [tilespmem:s5], [sflag:$0x3], $0x10, $0x38;
	[tilespmem:$0xCA90] =	vst v63  }
0xd9: {  	s4 =	simm.s32 $0x3  }
0xda: {  	_ =	swait.ge [sflag:s4], $0x10  }
0xdb: {  	[sflag:s4] =	ssyncset.done $0x0  }
0xdc: {  	[sflag:s4] =	ssyncadd.s32 $0xFFFFFFF0  }
0xdd: {  	p0 =	sne.s32 s3, $0x0;
	[bflag:$0x0] =	sbarrier.arrive $0xFFFF  }
0xde: {  	_ =	sfence.sel @p0 $0x180000  }
0xdf: {  	[bflag:$0x0] =	sbarrier.arrive @p0 $0xFFFF  }
0xe0: {  	_ =	strace @p0 $0x90000047  }
0xe1: {  	[bflag:$0x2] =	sbarrier.arrive @p0 $0xFFFF  }
0xe2: {  	s3 =	simm.s32 $0x1;
	_ =	shalt @p0  }
.LBB2_5:
0xe3: {  	v3 =	vimm.f32 $6.283185480e+00  }
0xe4: {  	(erf) = vrcp.f32 v3;
	_ =	sdelay $0x6  }
0xe5: {  	v7 =	vmul.u32 $0x10, v4  }
0xe6: {  	s6 =	simm.s32 $0xC900;
	v5 =	vimm.f32 $1.500000000e+01;
	vm3 =	vcmask $0x300  }
0xe7: {  	vm12 =	vcmask $0x704;
	[tilespmem:s6], [sflag:$0x3] =	stream.linear.gather [spmem:s2], $0x100, $0x38;
	v5 =	vsel vm3, $0x0, v5;
	v3 =	vpop (erf);
	[tilespmem:$0xCA90] =	vst v63  }
0xe8: {  	v5 =	vsel vm12, $0x3F800000, v5;
	_ =	swait.ge [sflag:s4], $0x100  }
0xe9: {  	vm13 =	vcmask $0xF0C;
	v5 =	vsel vm2, $0x40000000, v5;
	[sflag:s4] =	ssyncset.done $0x0  }
0xea: {  	vm14 =	vcmask $0x1310;
	v5 =	vsel vm13, $0x40400000, v5;
	[sflag:s4] =	ssyncadd.s32 $0xFFFFFF00  }
0xeb: {  	vm15 =	vcmask $0x1714;
	v8 =	vor.u32 $0x1, v7;
	v5 =	vsel vm14, $0x40800000, v5;
	v6 =	vld.idx.msk [tilespmem:v7+s6+$0x0], $0xffff  }
0xec: {  	vm4 =	vcmask $0x1B18;
	v5 =	vsel vm15, $0x40A00000, v5;
	v9 =	vld [tilespmem:$0xC880]  }
0xed: {  	vm5 =	vcmask $0x1F1C;
	v5 =	vsel vm4, $0x40C00000, v5;
	v10 =	vld [tilespmem:$0xC8A0]  }
0xee: {  	vm6 =	vcmask $0x2320;
	v5 =	vsel vm5, $0x40E00000, v5;
	v11 =	vld [tilespmem:$0xC890]  }
0xef: {  	vm7 =	vcmask $0x2724;
	v5 =	vsel vm6, $0x41000000, v5;
	v12 =	vld [tilespmem:$0xC8B0]  }
0xf0: {  	vm8 =	vcmask $0x2B28;
	v5 =	vsel vm7, $0x41100000, v5;
	v8 =	vld.idx.msk [tilespmem:v8+s6+$0x0], $0xffff;
	(xrf0) =	vmin.scan.msk.f32 $0xffff, v6  }
0xf1: {  	vm9 =	vcmask $0x2F2C;
	vm10 =	vcmask $0x3330;
	v5 =	vsel vm8, $0x41200000, v5  }
0xf2: {  	v5 =	vsel vm9, $0x41300000, v5;
	v9 =	vsub.f32 v9, v0;
	v10 =	vsub.f32 v10, v1  }
0xf3: {  	vm11 =	vcmask $0x3734;
	v5 =	vsel vm10, $0x41400000, v5;
	v11 =	vsub.f32 v11, v0  }
0xf4: {  	v12 =	vsub.f32 v12, v1;
	v9 =	vmul.f32 v9, v9;
	v10 =	vmul.f32 v10, v10  }
0xf5: {  	vm12 =	vcmask $0x3B38;
	v5 =	vsel vm11, $0x41500000, v5;
	v8 =	vmul.f32 $1.600000000e+01, v8  }
0xf6: {  	v49 =	vmul.f32 v11, v11;
	v50 =	vmul.f32 v12, v12;
	v9 =	vadd.f32 v10, v9;
	v13, _, _ =	vpop (xrf0)  }
0xf7: {  	v51 =	vsel vm12, $0x41600000, v5;
	v52 =	vbroadcast v13, $0xF  }
0xf8: {  	v8 =	vadd.f32 v51, v8;
	v10 =	vadd.f32 v50, v49;
	vm13 =	vlt.f32 v9, $3.399999950e+38  }
0xf9: {  	v53 =	vnsel vm13, $0x7F7FC99E, v9;
	vm14 =	vle.f32 v6, v52  }
0xfa: {  	vm15 =	vlt.f32 v10, v53;
	v54 =	vnsel vm14, $0x7F7FC99E, v8  }
0xfb: {  	v55 =	vsel vm15, v10, v53;
	(xrf0) =	vmin.scan.msk.f32 $0xffff, v54  }
0xfc: {  	(xrf0) =	vmin.scan.msk.f32 $0xffff, v55;
	_ =	sdelay $0x4  }
0xfd: {  	v56, _, _ =	vpop (xrf0)  }
0xfe: {  	v57, _, _ =	vpop (xrf0)  }
0xff: {  	v58 =	vor.u32 $0x80000000, v4;
	v6 =	vbroadcast v57, $0xF  }
0x100: {  	v59 =	vor.u32 $0x80000010, v4;
	v11 =	vnsel vm13, $0x80000000, v58  }
0x101: {  	v60 =	vsel vm15, v59, v11;
	vm5 =	veq.f32 v55, v6  }
0x102: {  	v9 =	vnsel vm5, $0xFFFFFFFF, v60  }
0x103: {  	(xrf0) =	vmin.scan.msk.u32 $0xffff, v9;
	_ =	sdelay $0x5  }
0x104: {  	v9, _, _ =	vpop (xrf0)  }
0x105: {  	(v2sf) =	vpush v9, $0xF;
	_ =	sdelay $0xe  }
0x106: {  	v61 =	vor.u32 $0x3, v7;
	s28 =	spop (v2sf)  }
0x107: {  	v62 =	vor.u32 $0x4, v7;
	s7 =	sxor.u32 $0x80000000, s28  }
0x108: {  	v63 =	vor.u32 $0x5, v7;
	p1 =	sgt.s32 s28, $0xFFFFFFFF;
	s2 =	sand.u32 $0xF, s28;
	p0 =	slt.s32 s7, $0x1  }
0x109: {  	v7 =	vor.u32 $0x7, v7;
	p6 =	sne.s32 s2, $0x0;
	s29 =	sshra.s32 s7, $0x1F;
	p0 =	por p1, p0  }
0x10a: {  	s2 =	sshrl.u32 s29, $0x1C;
	p0 =	por !p6, !p0  }
0x10b: {  	v9 =	vld.idx.msk [tilespmem:v61+s6+$0x0], $0xffff;
	s2 =	sadd.s32 s2, s7;
	p0 =	por !p0, !p0  }
0x10c: {  	v11 =	vld.idx.msk [tilespmem:v62+s6+$0x0], $0xffff;
	s2 =	sshrl.u32 s2, $0x4;
	s3 =	simm.s32 @!p0 $0x0  }
0x10d: {  	v12 =	vld.idx.msk [tilespmem:v63+s6+$0x0], $0xffff;
	v10 =	vbroadcast v56, $0xF;
	s2 =	ssub.s32 s2, s3  }
0x10e: {  	v7 =	vld.idx.msk [tilespmem:v7+s6+$0x0], $0xffff;
	s2 =	sshll.u32 s2, $0x4  }
0x10f: {  	vm6 =	veq.f32 v8, v10;
	v16 =	vld [tilespmem:s2+$0xC880]  }
0x110: {  	v9 =	vnsel vm6, $0x0, v9;
	v17 =	vld [tilespmem:s2+$0xC8A0]  }
0x111: {  	v18 =	vnsel vm6, $0x0, v11;
	(xrf2) =	vadd.scan.msk.f32 $0xffff, v9;
	s30 =	ssub.s32 s7, s2;
	v19 =	vld [tilespmem:s2+$0xC8C0]  }
0x112: {  	v20 =	vnsel vm6, $0x0, v12;
	(xrf2) =	vadd.scan.msk.f32 $0xffff, v18;
	v22 =	vld [tilespmem:s2+$0xC8E0];
	v21 =	vmov s30  }
0x113: {  	v7 =	vnsel vm6, $0x0, v7;
	(xrf2) =	vadd.scan.msk.f32 $0xffff, v20;
	vm7 =	veq.s32 v21, v4  }
0x114: {  	(xrf2) =	vadd.scan.msk.f32 $0xffff, v7;
	v4 =	vnsel vm7, $0x0, v16  }
0x115: {  	v23 =	vnsel vm7, $0x0, v17;
	(xrf2) =	vadd.scan.msk.f32 $0xffff, v4  }
0x116: {  	v24 =	vnsel vm7, $0x0, v19;
	(xrf2) =	vadd.scan.msk.f32 $0xffff, v23  }
0x117: {  	vm8 =	vcmask $0x70C;
	v25 =	vnsel vm7, $0x0, v22;
	(xrf2) =	vadd.scan.msk.f32 $0xffff, v24  }
0x118: {  	v26 =	vsel vm8, $0x0, v2;
	vm9 =	vcmask $0xB10;
	(xrf2) =	vadd.scan.msk.f32 $0xffff, v25  }
0x119: {  	v27 =	vsel vm9, $0x0, v2;
	vm10 =	vcmask $0xF14;
	(xrf2) =	vadd.scan.msk.f32 $0xffff, v26  }
0x11a: {  	v28 =	vsel vm10, $0x0, v2;
	(xrf2) =	vadd.scan.msk.f32 $0xffff, v27  }
0x11b: {  	v29, _, _ =	vpop (xrf2);
	(xrf2) =	vadd.scan.msk.f32 $0xffff, v28  }
0x11c: {  	v30, _, _ =	vpop (xrf2)  }
0x11d: {  	v31, _, _ =	vpop (xrf2)  }
0x11e: {  	v32, _, _ =	vpop (xrf2)  }
0x11f: {  	v33, _, _ =	vpop (xrf2)  }
0x120: {  	v34, _, _ =	vpop (xrf2)  }
0x121: {  	v35, _, _ =	vpop (xrf2)  }
0x122: {  	v36, _, _ =	vpop (xrf2)  }
0x123: {  	v14, _, _ =	vpop (xrf2)  }
0x124: {  	v37, _, _ =	vpop (xrf2)  }
0x125: {  	v15, _, _ =	vpop (xrf2)  }
0x126: {  	v15 =	vadd.f32 $0.0e+00, v15;
	_ =	sdelay $0x1  }
0x127: {  	v15 =	vadd.f32 $3.141592740e+00, v15;
	_ =	sdelay $0x1  }
0x128: {  	v15 =	vbroadcast v15, $0xF;
	_ =	sdelay $0x1  }
0x129: {  	v16 =	vand.u32 $0x7FFFFFFF, v15  }
0x12a: {  	v17 =	vmul.f32 v16, v3;
	_ =	sdelay $0x1  }
0x12b: {  	v17 =	vfloor.f32 v17  }
0x12c: {  	v17 =	vmul.f32 $6.283185480e+00, v17;
	_ =	sdelay $0x1  }
0x12d: {  	v16 =	vsub.f32 v16, v17;
	_ =	sdelay $0x1  }
0x12e: {  	vm11 =	veq.f32 v16, $6.283185480e+00  }
0x12f: {  	v16 =	vsel vm11, $0x0, v16  }
0x130: {  	v15 =	vand.u32 $0x80000000, v15;
	v16 =	vand.u32 $0x7FFFFFFF, v16  }
0x131: {  	v15 =	vor.u32 v15, v16  }
0x132: {  	v16 =	vadd.f32 $6.283185480e+00, v15  }
0x133: {  	vm12 =	vlt.f32 v15, $0.0e+00  }
0x134: {  	v15 =	vsel vm12, v16, v15  }
0x135: {  	v16 =	vadd.f32 $1.570796370e+00, v15;
	_ =	sdelay $0x1  }
0x136: {  	v19 =	vimm.f32 $1.000000000e+00;
	v38 =	vmul.f32 $6.366197460e-01, v16  }
0x137: {  	v19 =	vand.u32 $0x7FFFFFFF, v19  }
0x138: {  	v18 =	vand.u32 $0x80000000, v38;
	vm13 =	vlt.f32 v38, $0.0e+00;
	vm14 =	vgt.f32 v38, $0.0e+00  }
0x139: {  	v18 =	vor.u32 v18, v19;
	vm2 =	vmor vm14, vm13  }
0x13a: {  	v18 =	vsel vm2, v18, v38  }
0x13b: {  	v18 =	vmul.f32 $5.000000000e-01, v18;
	_ =	sdelay $0x1  }
0x13c: {  	v17 =	vadd.f32 v18, v38;
	_ =	sdelay $0x1  }
0x13d: {  	v17 =	vtrunc.f32 v17  }
0x13e: {  	v17 =	vcvt.f32.s32 v17;
	_ =	sdelay $0x1  }
0x13f: {  	v39 =	vcvt.s32.f32 v17;
	_ =	sdelay $0x1  }
0x140: {  	v40 =	vmul.f32 $-1.570796250e+00, v39;
	_ =	sdelay $0x1  }
0x141: {  	v18 =	vmul.f32 $-7.549789420e-08, v39;
	v16 =	vadd.f32 v40, v16;
	_ =	sdelay $0x1  }
0x142: {  	v16 =	vadd.f32 v18, v16;
	_ =	sdelay $0x1  }
0x143: {  	v18 =	vmul.f32 v16, v16;
	_ =	sdelay $0x1  }
0x144: {  	v41 =	vmul.f32 $2.443315680e-05, v18;
	_ =	sdelay $0x1  }
0x145: {  	v19 =	vadd.f32 $-1.388731650e-03, v41;
	_ =	sdelay $0x1  }
0x146: {  	v20 =	vmul.f32 $-1.951529560e-04, v18;
	v19 =	vmul.f32 v19, v18  }
0x147: {  	v9 =	vadd.f32 $0.0e+00, v32  }
0x148: {  	v20 =	vadd.f32 $8.332161230e-03, v20;
	v19 =	vadd.f32 $4.166664560e-02, v19  }
0x149: {  	v47 =	vadd.f32 $0.0e+00, v0;
	v9 =	vbroadcast v9, $0xF;
	v4 =	vadd.f32 $0.0e+00, v29  }
0x14a: {  	v48 =	vadd.f32 $0.0e+00, v1;
	v20 =	vmul.f32 v20, v18;
	v19 =	vmul.f32 v19, v18  }
0x14b: {  	v4 =	vbroadcast v4, $0xF;
	v10 =	vadd.f32 $0.0e+00, v33;
	v13 =	vadd.f32 $0.0e+00, v36  }
0x14c: {  	v21 =	vmul.f32 v18, v16;
	v20 =	vadd.f32 $-1.666665520e-01, v20;
	v19 =	vadd.f32 $-5.000000000e-01, v19  }
0x14d: {  	v7 =	vadd.f32 $0.0e+00, v30;
	v10 =	vbroadcast v10, $0xF;
	v13 =	vbroadcast v13, $0xF  }
0x14e: {  	vm15 =	vlt.f32 v6, v52;
	v20 =	vmul.f32 v20, v21;
	v18 =	vmul.f32 v19, v18  }
0x14f: {  	v7 =	vbroadcast v7, $0xF;
	v46 =	vadd.f32 $0.0e+00, v34;
	v4 =	vsel vm15, v10, v4  }
0x150: {  	v5 =	vsel vm15, v13, v9;
	v16 =	vadd.f32 v20, v16;
	v18 =	vadd.f32 $1.000000000e+00, v18  }
0x151: {  	v10 =	vbroadcast v46, $0xF;
	v0 =	vsub.f32 v47, v4;
	v5 =	vmul.f32 $8.999999760e-01, v5  }
0x152: {  	v17 =	vand.u32 $0x3, v17;
	v42 =	vsub.f32 $0.0e+00, v16;
	v43 =	vsub.f32 $0.0e+00, v18  }
0x153: {  	v7 =	vsel vm15, v10, v7;
	v49 =	vadd.f32 $9.999999740e-06, v5;
	vm7 =	veq.s32 v17, $0x2  }
0x154: {  	vm4 =	veq.s32 v17, $0x1;
	v44 =	vsel vm7, v42, v43;
	v45 =	vsel vm7, v43, v16  }
0x155: {  	vm8 =	veq.s32 v17, $0x0;
	v6 =	vsel vm4, v18, v44;
	v9 =	vsel vm4, v42, v45  }
0x156: {  	v1 =	vsub.f32 v48, v7;
	v6 =	vsel vm8, v16, v6;
	v9 =	vsel vm8, v18, v9  }
0x157: {  	(erf) = vrcp.f32 v49;
	v9 =	vsub.f32 $0.0e+00, v9;
	v6 =	vsub.f32 $0.0e+00, v6;
	_ =	sdelay $0x1  }
0x158: {  	v0 =	vmul.f32 v0, v9;
	v1 =	vmul.f32 v1, v6;
	_ =	sdelay $0x1  }
0x159: {  	v50 =	vadd.f32 $0.0e+00, v14;
	v0 =	vadd.f32 v1, v0;
	_ =	sdelay $0x1  }
0x15a: {  	v51 =	vbroadcast v50, $0xF;
	v52 =	vsub.f32 $0.0e+00, v0;
	_ =	sdelay $0x1  }
0x15b: {  	v1 =	vmul.f32 v52, v51  }
0x15c: {  	v53 =	vpop (erf)  }
0x15d: {  	v1 =	vmul.f32 v1, v53;
	_ =	sdelay $0x1  }
0x15e: {  	v4 =	vand.u32 $0x7FFFFFFF, v1  }
0x15f: {  	v54 =	vmax.f32 v4, $1.000000000e-30  }
0x160: {  	(erf) = vrcp.f32 v54;
	_ =	sdelay $0x8  }
0x161: {  	vm9 =	vgt.f32 v4, $1.000000000e+00;
	v6 =	vpop (erf)  }
0x162: {  	v4 =	vsel vm9, v6, v4  }
0x163: {  	v6 =	vadd.f32 $1.000000000e+00, v4;
	_ =	sdelay $0x1  }
0x164: {  	(erf) = vrcp.f32 v6;
	_ =	sdelay $0x7  }
0x165: {  	v55 =	vadd.f32 $-1.000000000e+00, v4  }
0x166: {  	v56 =	vpop (erf)  }
0x167: {  	v6 =	vmul.f32 v56, v55  }
0x168: {  	vm10 =	vgt.f32 v4, $4.142135680e-01  }
0x169: {  	v8 =	vadd.f32 $0.0e+00, v31;
	v57 =	vadd.f32 $0.0e+00, v35;
	v4 =	vsel vm10, v6, v4  }
0x16a: {  	v6 =	vmul.f32 v4, v4  }
0x16b: {  	v8 =	vbroadcast v8, $0xF;
	v7 =	vbroadcast v57, $0xF  }
0x16c: {  	v58 =	vmul.f32 $8.053744580e-02, v6  }
0x16d: {  	v7 =	vsel vm15, v7, v8  }
0x16e: {  	v7 =	vsub.f32 v7, v15;
	v59 =	vadd.f32 $-1.387768540e-01, v58;
	_ =	sdelay $0x1  }
0x16f: {  	v7 =	vadd.f32 $3.141592740e+00, v7;
	v8 =	vmul.f32 v59, v6;
	_ =	sdelay $0x1  }
0x170: {  	v60 =	vand.u32 $0x7FFFFFFF, v7;
	v8 =	vadd.f32 $1.997771110e-01, v8  }
0x171: {  	v3 =	vmul.f32 v60, v3  }
0x172: {  	v8 =	vmul.f32 v8, v6  }
0x173: {  	v3 =	vfloor.f32 v3  }
0x174: {  	v3 =	vmul.f32 $6.283185480e+00, v3;
	v6 =	vmul.f32 v6, v4;
	v8 =	vadd.f32 $-3.333294990e-01, v8;
	_ =	sdelay $0x1  }
0x175: {  	v3 =	vsub.f32 v60, v3;
	v6 =	vmul.f32 v8, v6;
	_ =	sdelay $0x1  }
0x176: {  	vm11 =	veq.f32 v3, $6.283185480e+00;
	v4 =	vadd.f32 v6, v4  }
0x177: {  	v3 =	vsel vm11, $0x0, v3  }
0x178: {  	v61 =	vand.u32 $0x80000000, v7;
	v3 =	vand.u32 $0x7FFFFFFF, v3;
	v62 =	vadd.f32 $7.853981850e-01, v4  }
0x179: {  	v3 =	vor.u32 v61, v3  }
0x17a: {  	v6 =	vadd.f32 $6.283185480e+00, v3;
	v4 =	vsel vm10, v62, v4  }
0x17b: {  	v2 =	vadd.f32 $0.0e+00, v37;
	vm12 =	vlt.f32 v3, $0.0e+00;
	v7 =	vsub.f32 $1.570796370e+00, v4  }
0x17c: {  	v3 =	vsel vm12, v6, v3  }
0x17d: {  	v2 =	vbroadcast v2, $0xF;
	v3 =	vadd.f32 $-3.141592740e+00, v3;
	v4 =	vsel vm9, v7, v4  }
0x17e: {  	v63 =	vsub.f32 $0.0e+00, v4  }
0x17f: {  	vm13 =	vlt.f32 v1, $0.0e+00;
	v2 =	vmul.f32 v3, v2  }
0x180: {  	vm14 =	vcmask $0x3F0C;
	v3 =	vsel vm1, $0x0, v3;
	v1 =	vsel vm13, v63, v4  }
0x181: {  	vm15 =	vcmask $0x3F08;
	v0 =	vsel vm14, v3, v0;
	v1 =	vadd.f32 v1, v2  }
0x182: {  	v0 =	vsel vm15, v0, v5  }
0x183: {  	v0 =	vsel vm0, v1, v0  }
0x184: {  	s31 =	simm.s32 $0x0;
	[tilespmem:$0xCA00] =	vst v0  }
0x185: {  	[hbm4b:s1+s31] =	stream.linear.scatter [tilespmem:s5], [sflag:$0x3], $0x80, $0x38;
	[tilespmem:$0xCA90] =	vst v63  }
0x186: {  	_ =	swait.ge [sflag:s4], $0x80  }
0x187: {  	[sflag:s4] =	ssyncset.done $0x0  }
0x188: {  	[sflag:s4] =	ssyncadd.s32 $0xFFFFFF80  }
0x189: {  	_ =	sfence.sel $0x180000  }
0x18a: {  	[bflag:$0x0] =	sbarrier.arrive $0xFFFF  }
0x18b: {  	_ =	strace $0x90000047  }
0x18c: {  	s0 =	sadd.s32 $0x100000, s0;
	[bflag:$0x2] =	sbarrier.arrive $0xFFFF  }
0x18d: {  	[sflag:s0] =	ssyncadd.tile.s32 $0x1;
	_ =	shalt  }
.Lfunc_end2:
_tile_overlayer_lowered:
.L_overlay_start_2:
0x18e: {  	(tag) =	ssettag $0x2  }
0x18f: {  	s0 =	rddreg [dreg:$0x0];
	s2 =	stileid.u32  }
0x190: {  	s1 =	rddreg [dreg:$0x1];
	p0 =	sne.s32 s2, $0x0  }
0x191: {  	s3 =	rddreg [dreg:$0x2];
	[bflag:$0x3] =	sbarrier.arrive $0xFFFF;
	s2 =	simm.s32 @!p0 $0x1C03  }
0x192: {  	[timem:s3], [sflag:s2] =	dma.local @!p0 [hbm:s0], s1  }
0x193: {  	s0 =	simm.s32 @!p0 $0x3  }
0x194: {  	_ =	swait.ge @!p0 [sflag:s0], s1  }
0x195: {  	s1 =	ssub.s32 @!p0 $0x0, s1;
	[sflag:s0] =	ssyncset.done @!p0 $0x0  }
0x196: {  	[sflag:s0] =	ssyncadd.s32 @!p0 s1  }
0x197: {  	[bflag:$0x3] =	sbarrier.arrive $0xFFFF  }
0x198: {  	_ =	shalt  }

</sc_bundles>
